<compile_context>
chip_gen: v7x
topology: tpu7x:2x2x1
jax: 0.10.2.dev20260603
libtpu: 0.0.44.dev20260713+nightly
codegen_flags: <defaults>
</compile_context>

<pallas_src>
import numpy as np

import jax
import jax.numpy as jnp
from jax import lax
from jax.experimental import pallas as pl
from jax.experimental.pallas import tpu as pltpu
from jax.experimental.pallas import tpu_sc as plsc

NC = 2
NS = 16
L = 16
NW = NC * NS

H = 2048
W = 2048
PX = H * W
NWORDS = PX // 4
WPT = NWORDS // NW
CH = 8192
NCHUNK = WPT // CH

F255 = np.float32(255.0)
W0 = np.float32(0.299)
W1 = np.float32(0.587)
W2 = np.float32(0.114)
INV_EDGE = np.float32(256.0 / 255.0)
EDGE = np.float32(255.0 / 256.0)


def _bin_index(c0, c1, c2):
  g = (c0 * F255) * W0 + (c1 * F255) * W1
  g = g + (c2 * F255) * W2
  b = (g * INV_EDGE).astype(jnp.int32)
  t = b.astype(jnp.float32) * EDGE
  b = b - jnp.where(g < t, 1, 0)
  b = b + jnp.where(g >= t + EDGE, 1, 0)
  return jnp.minimum(b, 255)


BIN_ROWS = 512
QROWS = BIN_ROWS // 4


def _tc_bins_body(img_ref, out_ref):
  b = _bin_index(img_ref[0], img_ref[1], img_ref[2])
  w = b[0:QROWS]
  w = w | (b[QROWS:2 * QROWS] << 8)
  w = w | (b[2 * QROWS:3 * QROWS] << 16)
  w = w | (b[3 * QROWS:4 * QROWS] << 24)
  out_ref[...] = w


_tc_bins = pl.pallas_call(
    _tc_bins_body,
    grid=(H // BIN_ROWS,),
    in_specs=[pl.BlockSpec((3, BIN_ROWS, W), lambda i: (0, i, 0))],
    out_specs=pl.BlockSpec((QROWS, W), lambda i: (i, 0)),
    out_shape=jax.ShapeDtypeStruct((H // 4, W), jnp.int32),
    compiler_params=pltpu.CompilerParams(
        dimension_semantics=("arbitrary",)),
)


NBANK = 4


def _sc_hist_body(words, hist_out, buf0, buf1, hist_v, row_v, sem0, sem1):
  wid = lax.axis_index("s") * NC + lax.axis_index("c")
  base_w = wid * WPT

  zero16 = jnp.zeros((L,), jnp.float32)
  ones16 = jnp.ones((L,), jnp.float32)
  lane = lax.iota(jnp.int32, L)
  lane_bases = [lane * 256 + b * (L * 256) for b in range(NBANK)]

  @plsc.parallel_loop(0, NBANK * 256, step=1, unroll=4)
  def zero_body(i):
    hist_v[pl.ds(i * L, L)] = zero16

  for c in range(16):
    row_v[pl.ds(c * L, L)] = zero16

  bufs = (buf0, buf1)
  sems = (sem0, sem1)

  def start_chunk(k):
    start = base_w + k * CH
    return pltpu.async_copy(words.at[pl.ds(start, CH)], bufs[k % 2],
                            sems[k % 2])

  def do_chunk(buf):
    @plsc.parallel_loop(0, CH // L, step=1, unroll=8)
    def body(i):
      w = buf[pl.ds(i * L, L)]
      b0 = w & 255
      b1 = lax.shift_right_logical(w, 8) & 255
      b2 = lax.shift_right_logical(w, 16) & 255
      b3 = lax.shift_right_logical(w, 24)
      plsc.addupdate_scatter(hist_v, [lane_bases[0] | b0], ones16)
      plsc.addupdate_scatter(hist_v, [lane_bases[1] | b1], ones16)
      plsc.addupdate_scatter(hist_v, [lane_bases[2] | b2], ones16)
      plsc.addupdate_scatter(hist_v, [lane_bases[3] | b3], ones16)

  cps = [None, None]
  cps[0] = start_chunk(0)
  for k in range(NCHUNK):
    if k + 1 < NCHUNK:
      cps[(k + 1) % 2] = start_chunk(k + 1)
    cps[k % 2].wait()
    do_chunk(bufs[k % 2])

  @plsc.parallel_loop(0, NBANK * 16 * 16, step=1, unroll=4)
  def fold_body(j):
    v = hist_v[pl.ds(j * L, L)]
    plsc.addupdate_scatter(row_v, [lane + (j & 15) * L], v)

  pltpu.sync_copy(row_v, hist_out.at[pl.ds(wid * 256, 256)])


_sc_hist = pl.kernel(
    _sc_hist_body,
    out_type=jax.ShapeDtypeStruct((NW * 256,), jnp.float32),
    mesh=plsc.VectorSubcoreMesh(core_axis_name="c", subcore_axis_name="s"),
    scratch_types=[
        pltpu.VMEM((CH,), jnp.int32),
        pltpu.VMEM((CH,), jnp.int32),
        pltpu.VMEM((NBANK * L * 256,), jnp.float32),
        pltpu.VMEM((256,), jnp.float32),
        pltpu.SemaphoreType.DMA,
        pltpu.SemaphoreType.DMA,
    ],
    compiler_params=pltpu.CompilerParams(use_tc_tiling_on_sc=False,
                                         needs_layout_passes=False),
)


def _tc_rescale_body(hist_ref, img_ref, out_ref, ab_ref):
  i = pl.program_id(0)

  @pl.when(i == 0)
  def _():
    parts = hist_ref[...]
    acc = jnp.sum(parts, axis=0, keepdims=True)
    lanes = lax.broadcasted_iota(jnp.int32, (1, 256), 1)
    sh = 1
    for _ in range(8):
      rolled = pltpu.roll(acc, sh, axis=1)
      acc = acc + jnp.where(lanes >= sh, rolled, jnp.float32(0.0))
      sh *= 2
    maximum = jnp.max(acc)
    clip_value = (maximum / jnp.float32(100.0)) / jnp.float32(2.0)
    min_g = jnp.sum((acc < clip_value).astype(jnp.float32))
    max_g = jnp.float32(255.0) - jnp.sum(
        (acc >= maximum - clip_value).astype(jnp.float32))
    diff = max_g - min_g
    deg = max_g <= min_g
    safe = jnp.where(deg, jnp.float32(1.0), diff)
    alpha = jnp.where(deg, jnp.float32(1.0), jnp.float32(1.0) / safe)
    beta = jnp.where(deg, jnp.float32(0.0), (-min_g) / safe)
    ab_ref[0] = alpha
    ab_ref[1] = beta

  a = ab_ref[0]
  b = ab_ref[1]
  out_ref[...] = jnp.clip(img_ref[...] * a + b, 0.0, 1.0)


ROWS_PER_BLOCK = 512
NBLOCKS = (3 * H) // ROWS_PER_BLOCK

_tc_rescale = pl.pallas_call(
    _tc_rescale_body,
    grid=(NBLOCKS,),
    in_specs=[
        pl.BlockSpec((NW, 256), lambda i: (0, 0)),
        pl.BlockSpec((ROWS_PER_BLOCK, W), lambda i: (i, 0)),
    ],
    out_specs=pl.BlockSpec((ROWS_PER_BLOCK, W), lambda i: (i, 0)),
    out_shape=jax.ShapeDtypeStruct((3 * H, W), jnp.float32),
    scratch_shapes=[pltpu.SMEM((2,), jnp.float32)],
    compiler_params=pltpu.CompilerParams(
        dimension_semantics=("arbitrary",)),
)


@jax.jit
def kernel(image_tensor):
  packed = _tc_bins(image_tensor)
  hist_parts = _sc_hist(packed.reshape(NWORDS))
  out = _tc_rescale(hist_parts.reshape(NW, 256),
                    image_tensor.reshape(3 * H, W))
  return out.reshape(3, H, W)

# --- scband reference (transcript-rebuilt; emitter-appended) ---
"""Pipeline reference for scband-automatic-brightness-and-contrast-47562467836653 (READ-ONLY COPY).

The authoritative reference and input builder live on the scoring server;
editing this copy changes nothing except your own understanding.
"""

import jax, jax.numpy as jnp
import numpy as np

CLIP_HIST_PERCENT = 1


def setup_inputs(seed: int = 0) -> dict:
    key = jax.random.key(seed)
    image_tensor = jax.random.uniform(key, (3, 2048, 2048), dtype=jnp.float32)
    return {"image_tensor": image_tensor}


def reference(image_tensor):
    image = image_tensor
    is_normalized = jnp.max(image) <= 1.0
    image_for_hist = jnp.where(is_normalized, image * 255.0, image)
    if image_for_hist.shape[0] == 3:
        gray = (0.299 * image_for_hist[0]
                + 0.587 * image_for_hist[1]
                + 0.114 * image_for_hist[2])
    else:
        gray = jnp.squeeze(image_for_hist)
    # torch.histc(gray, bins=256, min=0, max=255) equivalent
    hist, _ = jnp.histogram(gray.reshape(-1), bins=256, range=(0.0, 255.0))
    hist = hist.astype(jnp.float32)
    hist_size = hist.shape[0]
    accumulator = jnp.cumsum(hist, axis=0)
    maximum = accumulator[-1]
    clip_value = CLIP_HIST_PERCENT * (maximum / 100.0) / 2.0
    minimum_gray = jnp.sum(accumulator < clip_value)
    maximum_gray = hist_size - 1 - jnp.sum(accumulator >= maximum - clip_value)
    min_f = minimum_gray.astype(jnp.float32)
    diff_f = (maximum_gray - minimum_gray).astype(jnp.float32)
    alpha = 255.0 / diff_f
    beta = -(min_f * 255.0) / diff_f
    alpha_norm = 1.0 / diff_f
    beta_norm = -min_f / diff_f
    auto_result_norm = jnp.clip(image * alpha_norm + beta_norm, 0.0, 1.0)
    auto_result_raw = jnp.clip(image * alpha + beta, 0.0, 255.0)
    auto_result = jnp.where(is_normalized, auto_result_norm, auto_result_raw)
    return jnp.where(maximum_gray <= minimum_gray, image_tensor, auto_result)

if __name__ == "__main__":
    import jax
    _d = setup_inputs()
    print(jax.jit(kernel)(*tuple(_d.values())))

</pallas_src>

<mosaic_0001>
#map = affine_map<(d0, d1) -> (0)>
module attributes {stable_mosaic.version = 14 : i64} {
  func.func @_sc_hist_body(%arg0: i32, %arg1: i32, %arg2: memref<1048576xi32, #tpu.memory_space<hbm>>, %arg3: memref<8192xf32, #tpu.memory_space<hbm>>, %arg4: memref<8192xi32, #tpu.memory_space<vmem>>, %arg5: memref<8192xi32, #tpu.memory_space<vmem>>, %arg6: memref<16384xf32, #tpu.memory_space<vmem>>, %arg7: memref<256xf32, #tpu.memory_space<vmem>>, %arg8: memref<!tpu.dma_semaphore, #tpu.memory_space<semaphore_mem>>, %arg9: memref<!tpu.dma_semaphore, #tpu.memory_space<semaphore_mem>>) attributes {dimension_semantics = [#tpu.dimension_semantics<core_parallel>, #tpu.dimension_semantics<subcore_parallel>], iteration_bounds = array<i64: 2, 16>, scalar_prefetch = 0 : i64, scratch_operands = 6 : i64, tpu.core_type = #tpu.core_type<sc_vector_subcore>, window_params = [{transform_indices = #map}, {transform_indices = #map}]} {
    %mul3A = arith.constant 2 : i32
    %mul3A_0 = arith.muli %arg1, %mul3A : i32
    %add3A = arith.addi %mul3A_0, %arg0 : i32
    %mul3A_1 = arith.constant 32768 : i32
    %mul3A_2 = arith.muli %add3A, %mul3A_1 : i32
    %broadcast_in_dim3A = arith.constant 0.000000e+00 : f32
    %broadcast_in_dim3A_3 = vector.broadcast %broadcast_in_dim3A : f32 to vector<16xf32>
    %broadcast_in_dim3A_4 = arith.constant 1.000000e+00 : f32
    %broadcast_in_dim3A_5 = vector.broadcast %broadcast_in_dim3A_4 : f32 to vector<16xf32>
    %iota3A = tpu.iota {dimensions = array<i32: 0>} : vector<16xi32>
    %mul3A_6 = arith.constant 256 : i32
    %mul3A_7 = vector.broadcast %mul3A_6 : i32 to vector<16xi32>
    %mul3A_8 = arith.muli %iota3A, %mul3A_7 : vector<16xi32>
    %add3A_9 = arith.constant 0 : i32
    %add3A_10 = vector.broadcast %add3A_9 : i32 to vector<16xi32>
    %add3A_11 = arith.addi %mul3A_8, %add3A_10 : vector<16xi32>
    %mul3A_12 = arith.constant 256 : i32
    %mul3A_13 = vector.broadcast %mul3A_12 : i32 to vector<16xi32>
    %mul3A_14 = arith.muli %iota3A, %mul3A_13 : vector<16xi32>
    %add3A_15 = arith.constant 4096 : i32
    %add3A_16 = vector.broadcast %add3A_15 : i32 to vector<16xi32>
    %add3A_17 = arith.addi %mul3A_14, %add3A_16 : vector<16xi32>
    %mul3A_18 = arith.constant 256 : i32
    %mul3A_19 = vector.broadcast %mul3A_18 : i32 to vector<16xi32>
    %mul3A_20 = arith.muli %iota3A, %mul3A_19 : vector<16xi32>
    %add3A_21 = arith.constant 8192 : i32
    %add3A_22 = vector.broadcast %add3A_21 : i32 to vector<16xi32>
    %add3A_23 = arith.addi %mul3A_20, %add3A_22 : vector<16xi32>
    %mul3A_24 = arith.constant 256 : i32
    %mul3A_25 = vector.broadcast %mul3A_24 : i32 to vector<16xi32>
    %mul3A_26 = arith.muli %iota3A, %mul3A_25 : vector<16xi32>
    %add3A_27 = arith.constant 12288 : i32
    %add3A_28 = vector.broadcast %add3A_27 : i32 to vector<16xi32>
    %add3A_29 = arith.addi %mul3A_26, %add3A_28 : vector<16xi32>
    %parallel_loop3A = arith.constant 0 : i32
    %parallel_loop3A_30 = arith.constant 1024 : i32
    %parallel_loop3A_31 = arith.constant 1 : i32
    scf.for %parallel_loop3A_102 = %parallel_loop3A to %parallel_loop3A_30 step %parallel_loop3A_31  : i32 {
      %parallel_loop3A_103 = arith.constant 16 : i32
      %parallel_loop3A_104 = arith.muli %parallel_loop3A_102, %parallel_loop3A_103 : i32
      %parallel_loop3A_105 = arith.index_cast %parallel_loop3A_104 : i32 to index
      %parallel_loop3A_106 = tpu.vector_load %arg6[%parallel_loop3A_105] {strides = array<i32>} : memref<16384xf32, #tpu.memory_space<vmem>>, vector<16xf32>,
      tpu.vector_store %arg6[%parallel_loop3A_105], %broadcast_in_dim3A_3 {strides = array<i32>} : memref<16384xf32, #tpu.memory_space<vmem>>, vector<16xf32>,
    } {sc.loop_unroll_factor = 4 : i64, sc.parallel_access}
    %swap3A = arith.constant 0 : index
    %swap3A_32 = tpu.vector_load %arg7[%swap3A] {strides = array<i32>} : memref<256xf32, #tpu.memory_space<vmem>>, vector<16xf32>,
    tpu.vector_store %arg7[%swap3A], %broadcast_in_dim3A_3 {strides = array<i32>} : memref<256xf32, #tpu.memory_space<vmem>>, vector<16xf32>,
    %swap3A_33 = arith.constant 16 : index
    %swap3A_34 = tpu.vector_load %arg7[%swap3A_33] {strides = array<i32>} : memref<256xf32, #tpu.memory_space<vmem>>, vector<16xf32>,
    tpu.vector_store %arg7[%swap3A_33], %broadcast_in_dim3A_3 {strides = array<i32>} : memref<256xf32, #tpu.memory_space<vmem>>, vector<16xf32>,
    %swap3A_35 = arith.constant 32 : index
    %swap3A_36 = tpu.vector_load %arg7[%swap3A_35] {strides = array<i32>} : memref<256xf32, #tpu.memory_space<vmem>>, vector<16xf32>,
    tpu.vector_store %arg7[%swap3A_35], %broadcast_in_dim3A_3 {strides = array<i32>} : memref<256xf32, #tpu.memory_space<vmem>>, vector<16xf32>,
    %swap3A_37 = arith.constant 48 : index
    %swap3A_38 = tpu.vector_load %arg7[%swap3A_37] {strides = array<i32>} : memref<256xf32, #tpu.memory_space<vmem>>, vector<16xf32>,
    tpu.vector_store %arg7[%swap3A_37], %broadcast_in_dim3A_3 {strides = array<i32>} : memref<256xf32, #tpu.memory_space<vmem>>, vector<16xf32>,
    %swap3A_39 = arith.constant 64 : index
    %swap3A_40 = tpu.vector_load %arg7[%swap3A_39] {strides = array<i32>} : memref<256xf32, #tpu.memory_space<vmem>>, vector<16xf32>,
    tpu.vector_store %arg7[%swap3A_39], %broadcast_in_dim3A_3 {strides = array<i32>} : memref<256xf32, #tpu.memory_space<vmem>>, vector<16xf32>,
    %swap3A_41 = arith.constant 80 : index
    %swap3A_42 = tpu.vector_load %arg7[%swap3A_41] {strides = array<i32>} : memref<256xf32, #tpu.memory_space<vmem>>, vector<16xf32>,
    tpu.vector_store %arg7[%swap3A_41], %broadcast_in_dim3A_3 {strides = array<i32>} : memref<256xf32, #tpu.memory_space<vmem>>, vector<16xf32>,
    %swap3A_43 = arith.constant 96 : index
    %swap3A_44 = tpu.vector_load %arg7[%swap3A_43] {strides = array<i32>} : memref<256xf32, #tpu.memory_space<vmem>>, vector<16xf32>,
    tpu.vector_store %arg7[%swap3A_43], %broadcast_in_dim3A_3 {strides = array<i32>} : memref<256xf32, #tpu.memory_space<vmem>>, vector<16xf32>,
    %swap3A_45 = arith.constant 112 : index
    %swap3A_46 = tpu.vector_load %arg7[%swap3A_45] {strides = array<i32>} : memref<256xf32, #tpu.memory_space<vmem>>, vector<16xf32>,
    tpu.vector_store %arg7[%swap3A_45], %broadcast_in_dim3A_3 {strides = array<i32>} : memref<256xf32, #tpu.memory_space<vmem>>, vector<16xf32>,
    %swap3A_47 = arith.constant 128 : index
    %swap3A_48 = tpu.vector_load %arg7[%swap3A_47] {strides = array<i32>} : memref<256xf32, #tpu.memory_space<vmem>>, vector<16xf32>,
    tpu.vector_store %arg7[%swap3A_47], %broadcast_in_dim3A_3 {strides = array<i32>} : memref<256xf32, #tpu.memory_space<vmem>>, vector<16xf32>,
    %swap3A_49 = arith.constant 144 : index
    %swap3A_50 = tpu.vector_load %arg7[%swap3A_49] {strides = array<i32>} : memref<256xf32, #tpu.memory_space<vmem>>, vector<16xf32>,
    tpu.vector_store %arg7[%swap3A_49], %broadcast_in_dim3A_3 {strides = array<i32>} : memref<256xf32, #tpu.memory_space<vmem>>, vector<16xf32>,
    %swap3A_51 = arith.constant 160 : index
    %swap3A_52 = tpu.vector_load %arg7[%swap3A_51] {strides = array<i32>} : memref<256xf32, #tpu.memory_space<vmem>>, vector<16xf32>,
    tpu.vector_store %arg7[%swap3A_51], %broadcast_in_dim3A_3 {strides = array<i32>} : memref<256xf32, #tpu.memory_space<vmem>>, vector<16xf32>,
    %swap3A_53 = arith.constant 176 : index
    %swap3A_54 = tpu.vector_load %arg7[%swap3A_53] {strides = array<i32>} : memref<256xf32, #tpu.memory_space<vmem>>, vector<16xf32>,
    tpu.vector_store %arg7[%swap3A_53], %broadcast_in_dim3A_3 {strides = array<i32>} : memref<256xf32, #tpu.memory_space<vmem>>, vector<16xf32>,
    %swap3A_55 = arith.constant 192 : index
    %swap3A_56 = tpu.vector_load %arg7[%swap3A_55] {strides = array<i32>} : memref<256xf32, #tpu.memory_space<vmem>>, vector<16xf32>,
    tpu.vector_store %arg7[%swap3A_55], %broadcast_in_dim3A_3 {strides = array<i32>} : memref<256xf32, #tpu.memory_space<vmem>>, vector<16xf32>,
    %swap3A_57 = arith.constant 208 : index
    %swap3A_58 = tpu.vector_load %arg7[%swap3A_57] {strides = array<i32>} : memref<256xf32, #tpu.memory_space<vmem>>, vector<16xf32>,
    tpu.vector_store %arg7[%swap3A_57], %broadcast_in_dim3A_3 {strides = array<i32>} : memref<256xf32, #tpu.memory_space<vmem>>, vector<16xf32>,
    %swap3A_59 = arith.constant 224 : index
    %swap3A_60 = tpu.vector_load %arg7[%swap3A_59] {strides = array<i32>} : memref<256xf32, #tpu.memory_space<vmem>>, vector<16xf32>,
    tpu.vector_store %arg7[%swap3A_59], %broadcast_in_dim3A_3 {strides = array<i32>} : memref<256xf32, #tpu.memory_space<vmem>>, vector<16xf32>,
    %swap3A_61 = arith.constant 240 : index
    %swap3A_62 = tpu.vector_load %arg7[%swap3A_61] {strides = array<i32>} : memref<256xf32, #tpu.memory_space<vmem>>, vector<16xf32>,
    tpu.vector_store %arg7[%swap3A_61], %broadcast_in_dim3A_3 {strides = array<i32>} : memref<256xf32, #tpu.memory_space<vmem>>, vector<16xf32>,
    %add3A_63 = arith.constant 0 : i32
    %add3A_64 = arith.addi %mul3A_2, %add3A_63 : i32
    %dma_start3A = tpu.memref_slice %arg2[%add3A_64] : memref<1048576xi32, #tpu.memory_space<hbm>> -> memref<8192xi32, #tpu.memory_space<hbm>>
    %dma_start3A_65 = tpu.memref_slice %arg2[%add3A_64] : memref<1048576xi32, #tpu.memory_space<hbm>> -> memref<8192xi32, #tpu.memory_space<hbm>>
    tpu.enqueue_dma source(%dma_start3A_65 : memref<8192xi32, #tpu.memory_space<hbm>>) target(%arg4 : memref<8192xi32, #tpu.memory_space<vmem>>) target_semaphore(%arg8 : memref<!tpu.dma_semaphore, #tpu.memory_space<semaphore_mem>>)
    %add3A_66 = arith.constant 8192 : i32
    %add3A_67 = arith.addi %mul3A_2, %add3A_66 : i32
    %dma_start3A_68 = tpu.memref_slice %arg2[%add3A_67] : memref<1048576xi32, #tpu.memory_space<hbm>> -> memref<8192xi32, #tpu.memory_space<hbm>>
    %dma_start3A_69 = tpu.memref_slice %arg2[%add3A_67] : memref<1048576xi32, #tpu.memory_space<hbm>> -> memref<8192xi32, #tpu.memory_space<hbm>>
    tpu.enqueue_dma source(%dma_start3A_69 : memref<8192xi32, #tpu.memory_space<hbm>>) target(%arg5 : memref<8192xi32, #tpu.memory_space<vmem>>) target_semaphore(%arg9 : memref<!tpu.dma_semaphore, #tpu.memory_space<semaphore_mem>>)
    %dma_wait3A = tpu.memref_slice %arg2[%add3A_64] : memref<1048576xi32, #tpu.memory_space<hbm>> -> memref<8192xi32, #tpu.memory_space<hbm>>
    %dma_wait3A_70 = tpu.memref_slice %arg2[%add3A_64] : memref<1048576xi32, #tpu.memory_space<hbm>> -> memref<8192xi32, #tpu.memory_space<hbm>>
    tpu.wait_dma2 semaphore(%arg8 : memref<!tpu.dma_semaphore, #tpu.memory_space<semaphore_mem>>) src(%dma_wait3A_70 : memref<8192xi32, #tpu.memory_space<hbm>>) dst(%arg4 : memref<8192xi32, #tpu.memory_space<vmem>>)
    %parallel_loop3A_71 = arith.constant 0 : i32
    %parallel_loop3A_72 = arith.constant 512 : i32
    %parallel_loop3A_73 = arith.constant 1 : i32
    scf.for %parallel_loop3A_102 = %parallel_loop3A_71 to %parallel_loop3A_72 step %parallel_loop3A_73  : i32 {
      %parallel_loop3A_103 = arith.constant 16 : i32
      %parallel_loop3A_104 = arith.muli %parallel_loop3A_102, %parallel_loop3A_103 : i32
      %parallel_loop3A_105 = arith.index_cast %parallel_loop3A_104 : i32 to index
      %parallel_loop3A_106 = tpu.vector_load %arg4[%parallel_loop3A_105] {strides = array<i32>} : memref<8192xi32, #tpu.memory_space<vmem>>, vector<16xi32>,
      %parallel_loop3A_107 = arith.constant 255 : i32
      %parallel_loop3A_108 = vector.broadcast %parallel_loop3A_107 : i32 to vector<16xi32>
      %parallel_loop3A_109 = arith.andi %parallel_loop3A_106, %parallel_loop3A_108 : vector<16xi32>
      %parallel_loop3A_110 = arith.constant 8 : i32
      %parallel_loop3A_111 = vector.broadcast %parallel_loop3A_110 : i32 to vector<16xi32>
      %parallel_loop3A_112 = arith.shrui %parallel_loop3A_106, %parallel_loop3A_111 : vector<16xi32>
      %parallel_loop3A_113 = arith.constant 255 : i32
      %parallel_loop3A_114 = vector.broadcast %parallel_loop3A_113 : i32 to vector<16xi32>
      %parallel_loop3A_115 = arith.andi %parallel_loop3A_112, %parallel_loop3A_114 : vector<16xi32>
      %parallel_loop3A_116 = arith.constant 16 : i32
      %parallel_loop3A_117 = vector.broadcast %parallel_loop3A_116 : i32 to vector<16xi32>
      %parallel_loop3A_118 = arith.shrui %parallel_loop3A_106, %parallel_loop3A_117 : vector<16xi32>
      %parallel_loop3A_119 = arith.constant 255 : i32
      %parallel_loop3A_120 = vector.broadcast %parallel_loop3A_119 : i32 to vector<16xi32>
      %parallel_loop3A_121 = arith.andi %parallel_loop3A_118, %parallel_loop3A_120 : vector<16xi32>
      %parallel_loop3A_122 = arith.constant 24 : i32
      %parallel_loop3A_123 = vector.broadcast %parallel_loop3A_122 : i32 to vector<16xi32>
      %parallel_loop3A_124 = arith.shrui %parallel_loop3A_106, %parallel_loop3A_123 : vector<16xi32>
      %parallel_loop3A_125 = arith.ori %add3A_11, %parallel_loop3A_109 : vector<16xi32>
      tpu.vector_store_idx %arg6[%parallel_loop3A_125], %broadcast_in_dim3A_5 {add = true} : memref<16384xf32, #tpu.memory_space<vmem>>[vector<16xi32>], vector<16xf32>,
      %parallel_loop3A_126 = arith.ori %add3A_17, %parallel_loop3A_115 : vector<16xi32>
      tpu.vector_store_idx %arg6[%parallel_loop3A_126], %broadcast_in_dim3A_5 {add = true} : memref<16384xf32, #tpu.memory_space<vmem>>[vector<16xi32>], vector<16xf32>,
      %parallel_loop3A_127 = arith.ori %add3A_23, %parallel_loop3A_121 : vector<16xi32>
      tpu.vector_store_idx %arg6[%parallel_loop3A_127], %broadcast_in_dim3A_5 {add = true} : memref<16384xf32, #tpu.memory_space<vmem>>[vector<16xi32>], vector<16xf32>,
      %parallel_loop3A_128 = arith.ori %add3A_29, %parallel_loop3A_124 : vector<16xi32>
      tpu.vector_store_idx %arg6[%parallel_loop3A_128], %broadcast_in_dim3A_5 {add = true} : memref<16384xf32, #tpu.memory_space<vmem>>[vector<16xi32>], vector<16xf32>,
    } {sc.loop_unroll_factor = 8 : i64, sc.parallel_access}
    %add3A_74 = arith.constant 16384 : i32
    %add3A_75 = arith.addi %mul3A_2, %add3A_74 : i32
    %dma_start3A_76 = tpu.memref_slice %arg2[%add3A_75] : memref<1048576xi32, #tpu.memory_space<hbm>> -> memref<8192xi32, #tpu.memory_space<hbm>>
    %dma_start3A_77 = tpu.memref_slice %arg2[%add3A_75] : memref<1048576xi32, #tpu.memory_space<hbm>> -> memref<8192xi32, #tpu.memory_space<hbm>>
    tpu.enqueue_dma source(%dma_start3A_77 : memref<8192xi32, #tpu.memory_space<hbm>>) target(%arg4 : memref<8192xi32, #tpu.memory_space<vmem>>) target_semaphore(%arg8 : memref<!tpu.dma_semaphore, #tpu.memory_space<semaphore_mem>>)
    %dma_wait3A_78 = tpu.memref_slice %arg2[%add3A_67] : memref<1048576xi32, #tpu.memory_space<hbm>> -> memref<8192xi32, #tpu.memory_space<hbm>>
    %dma_wait3A_79 = tpu.memref_slice %arg2[%add3A_67] : memref<1048576xi32, #tpu.memory_space<hbm>> -> memref<8192xi32, #tpu.memory_space<hbm>>
    tpu.wait_dma2 semaphore(%arg9 : memref<!tpu.dma_semaphore, #tpu.memory_space<semaphore_mem>>) src(%dma_wait3A_79 : memref<8192xi32, #tpu.memory_space<hbm>>) dst(%arg5 : memref<8192xi32, #tpu.memory_space<vmem>>)
    %parallel_loop3A_80 = arith.constant 0 : i32
    %parallel_loop3A_81 = arith.constant 512 : i32
    %parallel_loop3A_82 = arith.constant 1 : i32
    scf.for %parallel_loop3A_102 = %parallel_loop3A_80 to %parallel_loop3A_81 step %parallel_loop3A_82  : i32 {
      %parallel_loop3A_103 = arith.constant 16 : i32
      %parallel_loop3A_104 = arith.muli %parallel_loop3A_102, %parallel_loop3A_103 : i32
      %parallel_loop3A_105 = arith.index_cast %parallel_loop3A_104 : i32 to index
      %parallel_loop3A_106 = tpu.vector_load %arg5[%parallel_loop3A_105] {strides = array<i32>} : memref<8192xi32, #tpu.memory_space<vmem>>, vector<16xi32>,
      %parallel_loop3A_107 = arith.constant 255 : i32
      %parallel_loop3A_108 = vector.broadcast %parallel_loop3A_107 : i32 to vector<16xi32>
      %parallel_loop3A_109 = arith.andi %parallel_loop3A_106, %parallel_loop3A_108 : vector<16xi32>
      %parallel_loop3A_110 = arith.constant 8 : i32
      %parallel_loop3A_111 = vector.broadcast %parallel_loop3A_110 : i32 to vector<16xi32>
      %parallel_loop3A_112 = arith.shrui %parallel_loop3A_106, %parallel_loop3A_111 : vector<16xi32>
      %parallel_loop3A_113 = arith.constant 255 : i32
      %parallel_loop3A_114 = vector.broadcast %parallel_loop3A_113 : i32 to vector<16xi32>
      %parallel_loop3A_115 = arith.andi %parallel_loop3A_112, %parallel_loop3A_114 : vector<16xi32>
      %parallel_loop3A_116 = arith.constant 16 : i32
      %parallel_loop3A_117 = vector.broadcast %parallel_loop3A_116 : i32 to vector<16xi32>
      %parallel_loop3A_118 = arith.shrui %parallel_loop3A_106, %parallel_loop3A_117 : vector<16xi32>
      %parallel_loop3A_119 = arith.constant 255 : i32
      %parallel_loop3A_120 = vector.broadcast %parallel_loop3A_119 : i32 to vector<16xi32>
      %parallel_loop3A_121 = arith.andi %parallel_loop3A_118, %parallel_loop3A_120 : vector<16xi32>
      %parallel_loop3A_122 = arith.constant 24 : i32
      %parallel_loop3A_123 = vector.broadcast %parallel_loop3A_122 : i32 to vector<16xi32>
      %parallel_loop3A_124 = arith.shrui %parallel_loop3A_106, %parallel_loop3A_123 : vector<16xi32>
      %parallel_loop3A_125 = arith.ori %add3A_11, %parallel_loop3A_109 : vector<16xi32>
      tpu.vector_store_idx %arg6[%parallel_loop3A_125], %broadcast_in_dim3A_5 {add = true} : memref<16384xf32, #tpu.memory_space<vmem>>[vector<16xi32>], vector<16xf32>,
      %parallel_loop3A_126 = arith.ori %add3A_17, %parallel_loop3A_115 : vector<16xi32>
      tpu.vector_store_idx %arg6[%parallel_loop3A_126], %broadcast_in_dim3A_5 {add = true} : memref<16384xf32, #tpu.memory_space<vmem>>[vector<16xi32>], vector<16xf32>,
      %parallel_loop3A_127 = arith.ori %add3A_23, %parallel_loop3A_121 : vector<16xi32>
      tpu.vector_store_idx %arg6[%parallel_loop3A_127], %broadcast_in_dim3A_5 {add = true} : memref<16384xf32, #tpu.memory_space<vmem>>[vector<16xi32>], vector<16xf32>,
      %parallel_loop3A_128 = arith.ori %add3A_29, %parallel_loop3A_124 : vector<16xi32>
      tpu.vector_store_idx %arg6[%parallel_loop3A_128], %broadcast_in_dim3A_5 {add = true} : memref<16384xf32, #tpu.memory_space<vmem>>[vector<16xi32>], vector<16xf32>,
    } {sc.loop_unroll_factor = 8 : i64, sc.parallel_access}
    %add3A_83 = arith.constant 24576 : i32
    %add3A_84 = arith.addi %mul3A_2, %add3A_83 : i32
    %dma_start3A_85 = tpu.memref_slice %arg2[%add3A_84] : memref<1048576xi32, #tpu.memory_space<hbm>> -> memref<8192xi32, #tpu.memory_space<hbm>>
    %dma_start3A_86 = tpu.memref_slice %arg2[%add3A_84] : memref<1048576xi32, #tpu.memory_space<hbm>> -> memref<8192xi32, #tpu.memory_space<hbm>>
    tpu.enqueue_dma source(%dma_start3A_86 : memref<8192xi32, #tpu.memory_space<hbm>>) target(%arg5 : memref<8192xi32, #tpu.memory_space<vmem>>) target_semaphore(%arg9 : memref<!tpu.dma_semaphore, #tpu.memory_space<semaphore_mem>>)
    %dma_wait3A_87 = tpu.memref_slice %arg2[%add3A_75] : memref<1048576xi32, #tpu.memory_space<hbm>> -> memref<8192xi32, #tpu.memory_space<hbm>>
    %dma_wait3A_88 = tpu.memref_slice %arg2[%add3A_75] : memref<1048576xi32, #tpu.memory_space<hbm>> -> memref<8192xi32, #tpu.memory_space<hbm>>
    tpu.wait_dma2 semaphore(%arg8 : memref<!tpu.dma_semaphore, #tpu.memory_space<semaphore_mem>>) src(%dma_wait3A_88 : memref<8192xi32, #tpu.memory_space<hbm>>) dst(%arg4 : memref<8192xi32, #tpu.memory_space<vmem>>)
    %parallel_loop3A_89 = arith.constant 0 : i32
    %parallel_loop3A_90 = arith.constant 512 : i32
    %parallel_loop3A_91 = arith.constant 1 : i32
    scf.for %parallel_loop3A_102 = %parallel_loop3A_89 to %parallel_loop3A_90 step %parallel_loop3A_91  : i32 {
      %parallel_loop3A_103 = arith.constant 16 : i32
      %parallel_loop3A_104 = arith.muli %parallel_loop3A_102, %parallel_loop3A_103 : i32
      %parallel_loop3A_105 = arith.index_cast %parallel_loop3A_104 : i32 to index
      %parallel_loop3A_106 = tpu.vector_load %arg4[%parallel_loop3A_105] {strides = array<i32>} : memref<8192xi32, #tpu.memory_space<vmem>>, vector<16xi32>,
      %parallel_loop3A_107 = arith.constant 255 : i32
      %parallel_loop3A_108 = vector.broadcast %parallel_loop3A_107 : i32 to vector<16xi32>
      %parallel_loop3A_109 = arith.andi %parallel_loop3A_106, %parallel_loop3A_108 : vector<16xi32>
      %parallel_loop3A_110 = arith.constant 8 : i32
      %parallel_loop3A_111 = vector.broadcast %parallel_loop3A_110 : i32 to vector<16xi32>
      %parallel_loop3A_112 = arith.shrui %parallel_loop3A_106, %parallel_loop3A_111 : vector<16xi32>
      %parallel_loop3A_113 = arith.constant 255 : i32
      %parallel_loop3A_114 = vector.broadcast %parallel_loop3A_113 : i32 to vector<16xi32>
      %parallel_loop3A_115 = arith.andi %parallel_loop3A_112, %parallel_loop3A_114 : vector<16xi32>
      %parallel_loop3A_116 = arith.constant 16 : i32
      %parallel_loop3A_117 = vector.broadcast %parallel_loop3A_116 : i32 to vector<16xi32>
      %parallel_loop3A_118 = arith.shrui %parallel_loop3A_106, %parallel_loop3A_117 : vector<16xi32>
      %parallel_loop3A_119 = arith.constant 255 : i32
      %parallel_loop3A_120 = vector.broadcast %parallel_loop3A_119 : i32 to vector<16xi32>
      %parallel_loop3A_121 = arith.andi %parallel_loop3A_118, %parallel_loop3A_120 : vector<16xi32>
      %parallel_loop3A_122 = arith.constant 24 : i32
      %parallel_loop3A_123 = vector.broadcast %parallel_loop3A_122 : i32 to vector<16xi32>
      %parallel_loop3A_124 = arith.shrui %parallel_loop3A_106, %parallel_loop3A_123 : vector<16xi32>
      %parallel_loop3A_125 = arith.ori %add3A_11, %parallel_loop3A_109 : vector<16xi32>
      tpu.vector_store_idx %arg6[%parallel_loop3A_125], %broadcast_in_dim3A_5 {add = true} : memref<16384xf32, #tpu.memory_space<vmem>>[vector<16xi32>], vector<16xf32>,
      %parallel_loop3A_126 = arith.ori %add3A_17, %parallel_loop3A_115 : vector<16xi32>
      tpu.vector_store_idx %arg6[%parallel_loop3A_126], %broadcast_in_dim3A_5 {add = true} : memref<16384xf32, #tpu.memory_space<vmem>>[vector<16xi32>], vector<16xf32>,
      %parallel_loop3A_127 = arith.ori %add3A_23, %parallel_loop3A_121 : vector<16xi32>
      tpu.vector_store_idx %arg6[%parallel_loop3A_127], %broadcast_in_dim3A_5 {add = true} : memref<16384xf32, #tpu.memory_space<vmem>>[vector<16xi32>], vector<16xf32>,
      %parallel_loop3A_128 = arith.ori %add3A_29, %parallel_loop3A_124 : vector<16xi32>
      tpu.vector_store_idx %arg6[%parallel_loop3A_128], %broadcast_in_dim3A_5 {add = true} : memref<16384xf32, #tpu.memory_space<vmem>>[vector<16xi32>], vector<16xf32>,
    } {sc.loop_unroll_factor = 8 : i64, sc.parallel_access}
    %dma_wait3A_92 = tpu.memref_slice %arg2[%add3A_84] : memref<1048576xi32, #tpu.memory_space<hbm>> -> memref<8192xi32, #tpu.memory_space<hbm>>
    %dma_wait3A_93 = tpu.memref_slice %arg2[%add3A_84] : memref<1048576xi32, #tpu.memory_space<hbm>> -> memref<8192xi32, #tpu.memory_space<hbm>>
    tpu.wait_dma2 semaphore(%arg9 : memref<!tpu.dma_semaphore, #tpu.memory_space<semaphore_mem>>) src(%dma_wait3A_93 : memref<8192xi32, #tpu.memory_space<hbm>>) dst(%arg5 : memref<8192xi32, #tpu.memory_space<vmem>>)
    %parallel_loop3A_94 = arith.constant 0 : i32
    %parallel_loop3A_95 = arith.constant 512 : i32
    %parallel_loop3A_96 = arith.constant 1 : i32
    scf.for %parallel_loop3A_102 = %parallel_loop3A_94 to %parallel_loop3A_95 step %parallel_loop3A_96  : i32 {
      %parallel_loop3A_103 = arith.constant 16 : i32
      %parallel_loop3A_104 = arith.muli %parallel_loop3A_102, %parallel_loop3A_103 : i32
      %parallel_loop3A_105 = arith.index_cast %parallel_loop3A_104 : i32 to index
      %parallel_loop3A_106 = tpu.vector_load %arg5[%parallel_loop3A_105] {strides = array<i32>} : memref<8192xi32, #tpu.memory_space<vmem>>, vector<16xi32>,
      %parallel_loop3A_107 = arith.constant 255 : i32
      %parallel_loop3A_108 = vector.broadcast %parallel_loop3A_107 : i32 to vector<16xi32>
      %parallel_loop3A_109 = arith.andi %parallel_loop3A_106, %parallel_loop3A_108 : vector<16xi32>
      %parallel_loop3A_110 = arith.constant 8 : i32
      %parallel_loop3A_111 = vector.broadcast %parallel_loop3A_110 : i32 to vector<16xi32>
      %parallel_loop3A_112 = arith.shrui %parallel_loop3A_106, %parallel_loop3A_111 : vector<16xi32>
      %parallel_loop3A_113 = arith.constant 255 : i32
      %parallel_loop3A_114 = vector.broadcast %parallel_loop3A_113 : i32 to vector<16xi32>
      %parallel_loop3A_115 = arith.andi %parallel_loop3A_112, %parallel_loop3A_114 : vector<16xi32>
      %parallel_loop3A_116 = arith.constant 16 : i32
      %parallel_loop3A_117 = vector.broadcast %parallel_loop3A_116 : i32 to vector<16xi32>
      %parallel_loop3A_118 = arith.shrui %parallel_loop3A_106, %parallel_loop3A_117 : vector<16xi32>
      %parallel_loop3A_119 = arith.constant 255 : i32
      %parallel_loop3A_120 = vector.broadcast %parallel_loop3A_119 : i32 to vector<16xi32>
      %parallel_loop3A_121 = arith.andi %parallel_loop3A_118, %parallel_loop3A_120 : vector<16xi32>
      %parallel_loop3A_122 = arith.constant 24 : i32
      %parallel_loop3A_123 = vector.broadcast %parallel_loop3A_122 : i32 to vector<16xi32>
      %parallel_loop3A_124 = arith.shrui %parallel_loop3A_106, %parallel_loop3A_123 : vector<16xi32>
      %parallel_loop3A_125 = arith.ori %add3A_11, %parallel_loop3A_109 : vector<16xi32>
      tpu.vector_store_idx %arg6[%parallel_loop3A_125], %broadcast_in_dim3A_5 {add = true} : memref<16384xf32, #tpu.memory_space<vmem>>[vector<16xi32>], vector<16xf32>,
      %parallel_loop3A_126 = arith.ori %add3A_17, %parallel_loop3A_115 : vector<16xi32>
      tpu.vector_store_idx %arg6[%parallel_loop3A_126], %broadcast_in_dim3A_5 {add = true} : memref<16384xf32, #tpu.memory_space<vmem>>[vector<16xi32>], vector<16xf32>,
      %parallel_loop3A_127 = arith.ori %add3A_23, %parallel_loop3A_121 : vector<16xi32>
      tpu.vector_store_idx %arg6[%parallel_loop3A_127], %broadcast_in_dim3A_5 {add = true} : memref<16384xf32, #tpu.memory_space<vmem>>[vector<16xi32>], vector<16xf32>,
      %parallel_loop3A_128 = arith.ori %add3A_29, %parallel_loop3A_124 : vector<16xi32>
      tpu.vector_store_idx %arg6[%parallel_loop3A_128], %broadcast_in_dim3A_5 {add = true} : memref<16384xf32, #tpu.memory_space<vmem>>[vector<16xi32>], vector<16xf32>,
    } {sc.loop_unroll_factor = 8 : i64, sc.parallel_access}
    %parallel_loop3A_97 = arith.constant 0 : i32
    %parallel_loop3A_98 = arith.constant 1024 : i32
    %parallel_loop3A_99 = arith.constant 1 : i32
    scf.for %parallel_loop3A_102 = %parallel_loop3A_97 to %parallel_loop3A_98 step %parallel_loop3A_99  : i32 {
      %parallel_loop3A_103 = arith.constant 16 : i32
      %parallel_loop3A_104 = arith.muli %parallel_loop3A_102, %parallel_loop3A_103 : i32
      %parallel_loop3A_105 = arith.index_cast %parallel_loop3A_104 : i32 to index
      %parallel_loop3A_106 = tpu.vector_load %arg6[%parallel_loop3A_105] {strides = array<i32>} : memref<16384xf32, #tpu.memory_space<vmem>>, vector<16xf32>,
      %parallel_loop3A_107 = arith.constant 15 : i32
      %parallel_loop3A_108 = arith.andi %parallel_loop3A_102, %parallel_loop3A_107 : i32
      %parallel_loop3A_109 = arith.constant 16 : i32
      %parallel_loop3A_110 = arith.muli %parallel_loop3A_108, %parallel_loop3A_109 : i32
      %parallel_loop3A_111 = vector.broadcast %parallel_loop3A_110 : i32 to vector<16xi32>
      %parallel_loop3A_112 = arith.addi %iota3A, %parallel_loop3A_111 : vector<16xi32>
      tpu.vector_store_idx %arg7[%parallel_loop3A_112], %parallel_loop3A_106 {add = true} : memref<256xf32, #tpu.memory_space<vmem>>[vector<16xi32>], vector<16xf32>,
    } {sc.loop_unroll_factor = 4 : i64, sc.parallel_access}
    %mul3A_100 = arith.constant 256 : i32
    %mul3A_101 = arith.muli %add3A, %mul3A_100 : i32
    "tpu.region"() ({
      %run_scoped3A = tpu.sem_alloc : memref<!tpu.dma_semaphore, #tpu.memory_space<semaphore_mem>>
      %dma_start3A_102 = tpu.memref_slice %arg3[%mul3A_101] : memref<8192xf32, #tpu.memory_space<hbm>> -> memref<256xf32, #tpu.memory_space<hbm>>
      %dma_start3A_103 = tpu.memref_slice %arg3[%mul3A_101] : memref<8192xf32, #tpu.memory_space<hbm>> -> memref<256xf32, #tpu.memory_space<hbm>>
      tpu.enqueue_dma source(%arg7 : memref<256xf32, #tpu.memory_space<vmem>>) target(%dma_start3A_103 : memref<256xf32, #tpu.memory_space<hbm>>) target_semaphore(%run_scoped3A : memref<!tpu.dma_semaphore, #tpu.memory_space<semaphore_mem>>)
      %dma_wait3A_104 = tpu.memref_slice %arg3[%mul3A_101] : memref<8192xf32, #tpu.memory_space<hbm>> -> memref<256xf32, #tpu.memory_space<hbm>>
      %dma_wait3A_105 = tpu.memref_slice %arg3[%mul3A_101] : memref<8192xf32, #tpu.memory_space<hbm>> -> memref<256xf32, #tpu.memory_space<hbm>>
      tpu.wait_dma2 semaphore(%run_scoped3A : memref<!tpu.dma_semaphore, #tpu.memory_space<semaphore_mem>>) src(%arg7 : memref<256xf32, #tpu.memory_space<vmem>>) dst(%dma_wait3A_105 : memref<256xf32, #tpu.memory_space<hbm>>)
      tpu.yield
    }) : () -> ()
    return
  }
}

module attributes {stable_mosaic.version = 14 : i64} {
  func.func @_tc_bins_body(%arg0: i32, %arg1: memref<3x512x2048xf32, #tpu.memory_space<vmem>>, %arg2: memref<128x2048xi32, #tpu.memory_space<vmem>>) attributes {dimension_semantics = [#tpu.dimension_semantics<arbitrary>], iteration_bounds = array<i64: 4>, scalar_prefetch = 0 : i64, scratch_operands = 0 : i64, tpu.core_type = #tpu.core_type<tc>, window_params = [{transform_indices = @transform_0, window_bounds = array<i64: 3, 512, 2048>}, {transform_indices = @transform_1, window_bounds = array<i64: 128, 2048>}]} {
    %get3A = arith.constant 0 : index
    %get3A_0 = arith.constant 0 : index
    %get3A_1 = arith.constant 0 : index
    %get3A_2 = vector.load %arg1[%get3A, %get3A_0, %get3A_1] : memref<3x512x2048xf32, #tpu.memory_space<vmem>>, vector<1x512x2048xf32>
    %get3A_3 = vector.shape_cast %get3A_2 : vector<1x512x2048xf32> to vector<512x2048xf32>
    %get3A_4 = arith.constant 1 : index
    %get3A_5 = arith.constant 0 : index
    %get3A_6 = arith.constant 0 : index
    %get3A_7 = vector.load %arg1[%get3A_4, %get3A_5, %get3A_6] : memref<3x512x2048xf32, #tpu.memory_space<vmem>>, vector<1x512x2048xf32>
    %get3A_8 = vector.shape_cast %get3A_7 : vector<1x512x2048xf32> to vector<512x2048xf32>
    %get3A_9 = arith.constant 2 : index
    %get3A_10 = arith.constant 0 : index
    %get3A_11 = arith.constant 0 : index
    %get3A_12 = vector.load %arg1[%get3A_9, %get3A_10, %get3A_11] : memref<3x512x2048xf32, #tpu.memory_space<vmem>>, vector<1x512x2048xf32>
    %get3A_13 = vector.shape_cast %get3A_12 : vector<1x512x2048xf32> to vector<512x2048xf32>
    %mul3A = arith.constant 2.550000e+02 : f32
    %mul3A_14 = vector.broadcast %mul3A : f32 to vector<512x2048xf32>
    %mul3A_15 = arith.mulf %get3A_3, %mul3A_14 : vector<512x2048xf32>
    %mul3A_16 = arith.constant 2.990000e-01 : f32
    %mul3A_17 = vector.broadcast %mul3A_16 : f32 to vector<512x2048xf32>
    %mul3A_18 = arith.mulf %mul3A_15, %mul3A_17 : vector<512x2048xf32>
    %mul3A_19 = arith.constant 2.550000e+02 : f32
    %mul3A_20 = vector.broadcast %mul3A_19 : f32 to vector<512x2048xf32>
    %mul3A_21 = arith.mulf %get3A_8, %mul3A_20 : vector<512x2048xf32>
    %mul3A_22 = arith.constant 5.870000e-01 : f32
    %mul3A_23 = vector.broadcast %mul3A_22 : f32 to vector<512x2048xf32>
    %mul3A_24 = arith.mulf %mul3A_21, %mul3A_23 : vector<512x2048xf32>
    %add3A = arith.addf %mul3A_18, %mul3A_24 : vector<512x2048xf32>
    %mul3A_25 = arith.constant 2.550000e+02 : f32
    %mul3A_26 = vector.broadcast %mul3A_25 : f32 to vector<512x2048xf32>
    %mul3A_27 = arith.mulf %get3A_13, %mul3A_26 : vector<512x2048xf32>
    %mul3A_28 = arith.constant 1.140000e-01 : f32
    %mul3A_29 = vector.broadcast %mul3A_28 : f32 to vector<512x2048xf32>
    %mul3A_30 = arith.mulf %mul3A_27, %mul3A_29 : vector<512x2048xf32>
    %add3A_31 = arith.addf %add3A, %mul3A_30 : vector<512x2048xf32>
    %mul3A_32 = arith.constant 1.00392163 : f32
    %mul3A_33 = vector.broadcast %mul3A_32 : f32 to vector<512x2048xf32>
    %mul3A_34 = arith.mulf %add3A_31, %mul3A_33 : vector<512x2048xf32>
    %convert_element_type3A = arith.fptosi %mul3A_34 : vector<512x2048xf32> to vector<512x2048xi32>
    %convert_element_type3A_35 = arith.sitofp %convert_element_type3A : vector<512x2048xi32> to vector<512x2048xf32>
    %mul3A_36 = arith.constant 0.99609375 : f32
    %mul3A_37 = vector.broadcast %mul3A_36 : f32 to vector<512x2048xf32>
    %mul3A_38 = arith.mulf %convert_element_type3A_35, %mul3A_37 : vector<512x2048xf32>
    %lt3A = arith.cmpf olt, %add3A_31, %mul3A_38 : vector<512x2048xf32>
    %jit3A = arith.constant 1 : i32
    %jit3A_39 = arith.constant 0 : i32
    %broadcast_in_dim3A = vector.broadcast %jit3A : i32 to vector<512x2048xi32>
    %broadcast_in_dim3A_40 = vector.broadcast %jit3A_39 : i32 to vector<512x2048xi32>
    %select_n3A = arith.select %lt3A, %broadcast_in_dim3A, %broadcast_in_dim3A_40 : vector<512x2048xi1>, vector<512x2048xi32>
    %sub3A = arith.subi %convert_element_type3A, %select_n3A : vector<512x2048xi32>
    %add3A_41 = arith.constant 0.99609375 : f32
    %add3A_42 = vector.broadcast %add3A_41 : f32 to vector<512x2048xf32>
    %add3A_43 = arith.addf %mul3A_38, %add3A_42 : vector<512x2048xf32>
    %ge3A = arith.cmpf oge, %add3A_31, %add3A_43 : vector<512x2048xf32>
    %jit3A_44 = arith.constant 1 : i32
    %jit3A_45 = arith.constant 0 : i32
    %broadcast_in_dim3A_46 = vector.broadcast %jit3A_44 : i32 to vector<512x2048xi32>
    %broadcast_in_dim3A_47 = vector.broadcast %jit3A_45 : i32 to vector<512x2048xi32>
    %select_n3A_48 = arith.select %ge3A, %broadcast_in_dim3A_46, %broadcast_in_dim3A_47 : vector<512x2048xi1>, vector<512x2048xi32>
    %add3A_49 = arith.addi %sub3A, %select_n3A_48 : vector<512x2048xi32>
    %min3A = arith.constant 255 : i32
    %min3A_50 = vector.broadcast %min3A : i32 to vector<512x2048xi32>
    %min3A_51 = arith.minsi %add3A_49, %min3A_50 : vector<512x2048xi32>
    %slice3A = vector.extract_strided_slice %min3A_51 {offsets = [0, 0], sizes = [128, 2048], strides = [1, 1]} : vector<512x2048xi32> to vector<128x2048xi32>
    %slice3A_52 = vector.extract_strided_slice %min3A_51 {offsets = [128, 0], sizes = [128, 2048], strides = [1, 1]} : vector<512x2048xi32> to vector<128x2048xi32>
    %shift_left3A = arith.constant 8 : i32
    %shift_left3A_53 = vector.broadcast %shift_left3A : i32 to vector<128x2048xi32>
    %shift_left3A_54 = arith.shli %slice3A_52, %shift_left3A_53 : vector<128x2048xi32>
    %or3A = arith.ori %slice3A, %shift_left3A_54 : vector<128x2048xi32>
    %slice3A_55 = vector.extract_strided_slice %min3A_51 {offsets = [256, 0], sizes = [128, 2048], strides = [1, 1]} : vector<512x2048xi32> to vector<128x2048xi32>
    %shift_left3A_56 = arith.constant 16 : i32
    %shift_left3A_57 = vector.broadcast %shift_left3A_56 : i32 to vector<128x2048xi32>
    %shift_left3A_58 = arith.shli %slice3A_55, %shift_left3A_57 : vector<128x2048xi32>
    %or3A_59 = arith.ori %or3A, %shift_left3A_58 : vector<128x2048xi32>
    %slice3A_60 = vector.extract_strided_slice %min3A_51 {offsets = [384, 0], sizes = [128, 2048], strides = [1, 1]} : vector<512x2048xi32> to vector<128x2048xi32>
    %shift_left3A_61 = arith.constant 24 : i32
    %shift_left3A_62 = vector.broadcast %shift_left3A_61 : i32 to vector<128x2048xi32>
    %shift_left3A_63 = arith.shli %slice3A_60, %shift_left3A_62 : vector<128x2048xi32>
    %or3A_64 = arith.ori %or3A_59, %shift_left3A_63 : vector<128x2048xi32>
    %swap3A = arith.constant 0 : index
    %swap3A_65 = arith.constant 0 : index
    %swap3A_66 = vector.load %arg2[%swap3A, %swap3A_65] : memref<128x2048xi32, #tpu.memory_space<vmem>>, vector<128x2048xi32>
    tpu.vector_store %arg2[%swap3A, %swap3A_65], %or3A_64 {strides = array<i32>} : memref<128x2048xi32, #tpu.memory_space<vmem>>, vector<128x2048xi32>,
    return
  }
  func.func @transform_0(%arg0: i32) -> (i32, i32, i32) {
    %c0_i32 = arith.constant 0 : i32
    %c0_i32_0 = arith.constant 0 : i32
    %c0_i32_1 = arith.constant 0 : i32
    return %c0_i32, %arg0, %c0_i32_0 : i32, i32, i32
  }
  func.func @transform_1(%arg0: i32) -> (i32, i32) {
    %c0_i32 = arith.constant 0 : i32
    %c0_i32_0 = arith.constant 0 : i32
    return %arg0, %c0_i32 : i32, i32
  }
}

module attributes {stable_mosaic.version = 14 : i64} {
  func.func @_tc_rescale_body(%arg0: i32, %arg1: memref<32x256xf32, #tpu.memory_space<vmem>>, %arg2: memref<512x2048xf32, #tpu.memory_space<vmem>>, %arg3: memref<512x2048xf32, #tpu.memory_space<vmem>>, %arg4: memref<2xf32, #tpu.memory_space<smem>>) attributes {dimension_semantics = [#tpu.dimension_semantics<arbitrary>], iteration_bounds = array<i64: 12>, scalar_prefetch = 0 : i64, scratch_operands = 1 : i64, tpu.core_type = #tpu.core_type<tc>, window_params = [{pipeline_mode = #tpu.pipeline_mode<synchronous>, transform_indices = @transform_0, window_bounds = array<i64: 32, 256>}, {transform_indices = @transform_1, window_bounds = array<i64: 512, 2048>}, {transform_indices = @transform_2, window_bounds = array<i64: 512, 2048>}]} {
    %eq3A = arith.constant 0 : i32
    %eq3A_0 = arith.cmpi eq, %arg0, %eq3A : i32
    %convert_element_type3A = arith.extui %eq3A_0 : i1 to i32
    %cond3A = arith.constant 0 : i32
    %cond3A_1 = arith.cmpi ne, %convert_element_type3A, %cond3A : i32
    scf.if %cond3A_1 {
      %get3A_15 = arith.constant 0 : index
      %get3A_16 = arith.constant 0 : index
      %get3A_17 = vector.load %arg1[%get3A_15, %get3A_16] : memref<32x256xf32, #tpu.memory_space<vmem>>, vector<32x256xf32>
      %reduce_sum3A = arith.constant dense<0.000000e+00> : vector<256xf32>
      %reduce_sum3A_18 = vector.multi_reduction <add>, %get3A_17, %reduce_sum3A [0] : vector<32x256xf32> to vector<256xf32>
      %broadcast_in_dim3A = vector.shape_cast %reduce_sum3A_18 : vector<256xf32> to vector<1x256xf32>
      %iota3A = tpu.iota {dimensions = array<i32: 1>} : vector<1x256xi32>
      %roll3A = arith.constant 1 : i32
      %roll3A_19 = tpu.dynamic_rotate %broadcast_in_dim3A by %roll3A dim 1 : vector<1x256xf32>, i32 -> vector<1x256xf32>
      %ge3A = arith.constant 1 : i32
      %ge3A_20 = vector.broadcast %ge3A : i32 to vector<1x256xi32>
      %ge3A_21 = arith.cmpi sge, %iota3A, %ge3A_20 : vector<1x256xi32>
      %jit3A_22 = arith.constant 0.000000e+00 : f32
      %broadcast_in_dim3A_23 = vector.broadcast %jit3A_22 : f32 to vector<1x256xf32>
      %select_n3A = arith.select %ge3A_21, %roll3A_19, %broadcast_in_dim3A_23 : vector<1x256xi1>, vector<1x256xf32>
      %add3A_24 = arith.addf %broadcast_in_dim3A, %select_n3A : vector<1x256xf32>
      %roll3A_25 = arith.constant 2 : i32
      %roll3A_26 = tpu.dynamic_rotate %add3A_24 by %roll3A_25 dim 1 : vector<1x256xf32>, i32 -> vector<1x256xf32>
      %ge3A_27 = arith.constant 2 : i32
      %ge3A_28 = vector.broadcast %ge3A_27 : i32 to vector<1x256xi32>
      %ge3A_29 = arith.cmpi sge, %iota3A, %ge3A_28 : vector<1x256xi32>
      %jit3A_30 = arith.constant 0.000000e+00 : f32
      %broadcast_in_dim3A_31 = vector.broadcast %jit3A_30 : f32 to vector<1x256xf32>
      %select_n3A_32 = arith.select %ge3A_29, %roll3A_26, %broadcast_in_dim3A_31 : vector<1x256xi1>, vector<1x256xf32>
      %add3A_33 = arith.addf %add3A_24, %select_n3A_32 : vector<1x256xf32>
      %roll3A_34 = arith.constant 4 : i32
      %roll3A_35 = tpu.dynamic_rotate %add3A_33 by %roll3A_34 dim 1 : vector<1x256xf32>, i32 -> vector<1x256xf32>
      %ge3A_36 = arith.constant 4 : i32
      %ge3A_37 = vector.broadcast %ge3A_36 : i32 to vector<1x256xi32>
      %ge3A_38 = arith.cmpi sge, %iota3A, %ge3A_37 : vector<1x256xi32>
      %jit3A_39 = arith.constant 0.000000e+00 : f32
      %broadcast_in_dim3A_40 = vector.broadcast %jit3A_39 : f32 to vector<1x256xf32>
      %select_n3A_41 = arith.select %ge3A_38, %roll3A_35, %broadcast_in_dim3A_40 : vector<1x256xi1>, vector<1x256xf32>
      %add3A_42 = arith.addf %add3A_33, %select_n3A_41 : vector<1x256xf32>
      %roll3A_43 = arith.constant 8 : i32
      %roll3A_44 = tpu.dynamic_rotate %add3A_42 by %roll3A_43 dim 1 : vector<1x256xf32>, i32 -> vector<1x256xf32>
      %ge3A_45 = arith.constant 8 : i32
      %ge3A_46 = vector.broadcast %ge3A_45 : i32 to vector<1x256xi32>
      %ge3A_47 = arith.cmpi sge, %iota3A, %ge3A_46 : vector<1x256xi32>
      %jit3A_48 = arith.constant 0.000000e+00 : f32
      %broadcast_in_dim3A_49 = vector.broadcast %jit3A_48 : f32 to vector<1x256xf32>
      %select_n3A_50 = arith.select %ge3A_47, %roll3A_44, %broadcast_in_dim3A_49 : vector<1x256xi1>, vector<1x256xf32>
      %add3A_51 = arith.addf %add3A_42, %select_n3A_50 : vector<1x256xf32>
      %roll3A_52 = arith.constant 16 : i32
      %roll3A_53 = tpu.dynamic_rotate %add3A_51 by %roll3A_52 dim 1 : vector<1x256xf32>, i32 -> vector<1x256xf32>
      %ge3A_54 = arith.constant 16 : i32
      %ge3A_55 = vector.broadcast %ge3A_54 : i32 to vector<1x256xi32>
      %ge3A_56 = arith.cmpi sge, %iota3A, %ge3A_55 : vector<1x256xi32>
      %jit3A_57 = arith.constant 0.000000e+00 : f32
      %broadcast_in_dim3A_58 = vector.broadcast %jit3A_57 : f32 to vector<1x256xf32>
      %select_n3A_59 = arith.select %ge3A_56, %roll3A_53, %broadcast_in_dim3A_58 : vector<1x256xi1>, vector<1x256xf32>
      %add3A_60 = arith.addf %add3A_51, %select_n3A_59 : vector<1x256xf32>
      %roll3A_61 = arith.constant 32 : i32
      %roll3A_62 = tpu.dynamic_rotate %add3A_60 by %roll3A_61 dim 1 : vector<1x256xf32>, i32 -> vector<1x256xf32>
      %ge3A_63 = arith.constant 32 : i32
      %ge3A_64 = vector.broadcast %ge3A_63 : i32 to vector<1x256xi32>
      %ge3A_65 = arith.cmpi sge, %iota3A, %ge3A_64 : vector<1x256xi32>
      %jit3A_66 = arith.constant 0.000000e+00 : f32
      %broadcast_in_dim3A_67 = vector.broadcast %jit3A_66 : f32 to vector<1x256xf32>
      %select_n3A_68 = arith.select %ge3A_65, %roll3A_62, %broadcast_in_dim3A_67 : vector<1x256xi1>, vector<1x256xf32>
      %add3A_69 = arith.addf %add3A_60, %select_n3A_68 : vector<1x256xf32>
      %roll3A_70 = arith.constant 64 : i32
      %roll3A_71 = tpu.dynamic_rotate %add3A_69 by %roll3A_70 dim 1 : vector<1x256xf32>, i32 -> vector<1x256xf32>
      %ge3A_72 = arith.constant 64 : i32
      %ge3A_73 = vector.broadcast %ge3A_72 : i32 to vector<1x256xi32>
      %ge3A_74 = arith.cmpi sge, %iota3A, %ge3A_73 : vector<1x256xi32>
      %jit3A_75 = arith.constant 0.000000e+00 : f32
      %broadcast_in_dim3A_76 = vector.broadcast %jit3A_75 : f32 to vector<1x256xf32>
      %select_n3A_77 = arith.select %ge3A_74, %roll3A_71, %broadcast_in_dim3A_76 : vector<1x256xi1>, vector<1x256xf32>
      %add3A_78 = arith.addf %add3A_69, %select_n3A_77 : vector<1x256xf32>
      %roll3A_79 = arith.constant 128 : i32
      %roll3A_80 = tpu.dynamic_rotate %add3A_78 by %roll3A_79 dim 1 : vector<1x256xf32>, i32 -> vector<1x256xf32>
      %ge3A_81 = arith.constant 128 : i32
      %ge3A_82 = vector.broadcast %ge3A_81 : i32 to vector<1x256xi32>
      %ge3A_83 = arith.cmpi sge, %iota3A, %ge3A_82 : vector<1x256xi32>
      %jit3A_84 = arith.constant 0.000000e+00 : f32
      %broadcast_in_dim3A_85 = vector.broadcast %jit3A_84 : f32 to vector<1x256xf32>
      %select_n3A_86 = arith.select %ge3A_83, %roll3A_80, %broadcast_in_dim3A_85 : vector<1x256xi1>, vector<1x256xf32>
      %add3A_87 = arith.addf %add3A_78, %select_n3A_86 : vector<1x256xf32>
      %reduce_max3A = vector.shape_cast %add3A_87 : vector<1x256xf32> to vector<1x1x256xf32>
      %reduce_max3A_88 = arith.constant dense<0xFF800000> : vector<1xf32>
      %reduce_max3A_89 = vector.multi_reduction <maximumf>, %reduce_max3A, %reduce_max3A_88 [1, 2] : vector<1x1x256xf32> to vector<1xf32>
      %reduce_max3A_90 = vector.shape_cast %reduce_max3A_89 : vector<1xf32> to vector<1x1x1xf32>
      %reduce_max3A_91 = vector.extract %reduce_max3A_90[0, 0, 0] : f32 from vector<1x1x1xf32>
      %div3A = arith.constant 1.000000e+02 : f32
      %div3A_92 = arith.divf %reduce_max3A_91, %div3A : f32
      %div3A_93 = arith.constant 2.000000e+00 : f32
      %div3A_94 = arith.divf %div3A_92, %div3A_93 : f32
      %lt3A = vector.broadcast %div3A_94 : f32 to vector<1x256xf32>
      %lt3A_95 = arith.cmpf olt, %add3A_87, %lt3A : vector<1x256xf32>
      %convert_element_type3A_96 = arith.extui %lt3A_95 : vector<1x256xi1> to vector<1x256xi32>
      %convert_element_type3A_97 = arith.sitofp %convert_element_type3A_96 : vector<1x256xi32> to vector<1x256xf32>
      %reduce_sum3A_98 = vector.shape_cast %convert_element_type3A_97 : vector<1x256xf32> to vector<1x1x256xf32>
      %reduce_sum3A_99 = arith.constant dense<0.000000e+00> : vector<1xf32>
      %reduce_sum3A_100 = vector.multi_reduction <add>, %reduce_sum3A_98, %reduce_sum3A_99 [1, 2] : vector<1x1x256xf32> to vector<1xf32>
      %reduce_sum3A_101 = vector.shape_cast %reduce_sum3A_100 : vector<1xf32> to vector<1x1x1xf32>
      %reduce_sum3A_102 = vector.extract %reduce_sum3A_101[0, 0, 0] : f32 from vector<1x1x1xf32>
      %sub3A = arith.subf %reduce_max3A_91, %div3A_94 : f32
      %ge3A_103 = vector.broadcast %sub3A : f32 to vector<1x256xf32>
      %ge3A_104 = arith.cmpf oge, %add3A_87, %ge3A_103 : vector<1x256xf32>
      %convert_element_type3A_105 = arith.extui %ge3A_104 : vector<1x256xi1> to vector<1x256xi32>
      %convert_element_type3A_106 = arith.sitofp %convert_element_type3A_105 : vector<1x256xi32> to vector<1x256xf32>
      %reduce_sum3A_107 = vector.shape_cast %convert_element_type3A_106 : vector<1x256xf32> to vector<1x1x256xf32>
      %reduce_sum3A_108 = arith.constant dense<0.000000e+00> : vector<1xf32>
      %reduce_sum3A_109 = vector.multi_reduction <add>, %reduce_sum3A_107, %reduce_sum3A_108 [1, 2] : vector<1x1x256xf32> to vector<1xf32>
      %reduce_sum3A_110 = vector.shape_cast %reduce_sum3A_109 : vector<1xf32> to vector<1x1x1xf32>
      %reduce_sum3A_111 = vector.extract %reduce_sum3A_110[0, 0, 0] : f32 from vector<1x1x1xf32>
      %sub3A_112 = arith.constant 2.550000e+02 : f32
      %sub3A_113 = arith.subf %sub3A_112, %reduce_sum3A_111 : f32
      %sub3A_114 = arith.subf %sub3A_113, %reduce_sum3A_102 : f32
      %le3A = arith.cmpf ole, %sub3A_113, %reduce_sum3A_102 : f32
      %jit3A_115 = arith.constant 1.000000e+00 : f32
      %select_n3A_116 = arith.select %le3A, %jit3A_115, %sub3A_114 : f32
      %div3A_117 = arith.constant 1.000000e+00 : f32
      %div3A_118 = arith.divf %div3A_117, %select_n3A_116 : f32
      %jit3A_119 = arith.constant 1.000000e+00 : f32
      %select_n3A_120 = arith.select %le3A, %jit3A_119, %div3A_118 : f32
      %neg3A = arith.constant 0.000000e+00 : f32
      %neg3A_121 = arith.subf %neg3A, %reduce_sum3A_102 : f32
      %div3A_122 = arith.divf %neg3A_121, %select_n3A_116 : f32
      %jit3A_123 = arith.constant 0.000000e+00 : f32
      %select_n3A_124 = arith.select %le3A, %jit3A_123, %div3A_122 : f32
      %swap3A_125 = arith.constant 0 : index
      %swap3A_126 = memref.load %arg4[%swap3A_125] : memref<2xf32, #tpu.memory_space<smem>>
      memref.store %select_n3A_120, %arg4[%swap3A_125] : memref<2xf32, #tpu.memory_space<smem>>
      %swap3A_127 = arith.constant 1 : index
      %swap3A_128 = memref.load %arg4[%swap3A_127] : memref<2xf32, #tpu.memory_space<smem>>
      memref.store %select_n3A_124, %arg4[%swap3A_127] : memref<2xf32, #tpu.memory_space<smem>>
    } else {
    }
    %get3A = arith.constant 0 : index
    %get3A_2 = memref.load %arg4[%get3A] : memref<2xf32, #tpu.memory_space<smem>>
    %get3A_3 = arith.constant 1 : index
    %get3A_4 = memref.load %arg4[%get3A_3] : memref<2xf32, #tpu.memory_space<smem>>
    %get3A_5 = arith.constant 0 : index
    %get3A_6 = arith.constant 0 : index
    %get3A_7 = vector.load %arg2[%get3A_5, %get3A_6] : memref<512x2048xf32, #tpu.memory_space<vmem>>, vector<512x2048xf32>
    %mul3A = vector.broadcast %get3A_2 : f32 to vector<512x2048xf32>
    %mul3A_8 = arith.mulf %get3A_7, %mul3A : vector<512x2048xf32>
    %add3A = vector.broadcast %get3A_4 : f32 to vector<512x2048xf32>
    %add3A_9 = arith.addf %mul3A_8, %add3A : vector<512x2048xf32>
    %jit3A = arith.constant 0.000000e+00 : f32
    %jit3A_10 = arith.constant 1.000000e+00 : f32
    %max3A = vector.broadcast %jit3A : f32 to vector<512x2048xf32>
    %max3A_11 = arith.maximumf %max3A, %add3A_9 : vector<512x2048xf32>
    %min3A = vector.broadcast %jit3A_10 : f32 to vector<512x2048xf32>
    %min3A_12 = arith.minimumf %min3A, %max3A_11 : vector<512x2048xf32>
    %swap3A = arith.constant 0 : index
    %swap3A_13 = arith.constant 0 : index
    %swap3A_14 = vector.load %arg3[%swap3A, %swap3A_13] : memref<512x2048xf32, #tpu.memory_space<vmem>>, vector<512x2048xf32>
    tpu.vector_store %arg3[%swap3A, %swap3A_13], %min3A_12 {strides = array<i32>} : memref<512x2048xf32, #tpu.memory_space<vmem>>, vector<512x2048xf32>,
    return
  }
  func.func @transform_0(%arg0: i32) -> (i32, i32) {
    %c0_i32 = arith.constant 0 : i32
    %c0_i32_0 = arith.constant 0 : i32
    %c0_i32_1 = arith.constant 0 : i32
    return %c0_i32, %c0_i32_0 : i32, i32
  }
  func.func @transform_1(%arg0: i32) -> (i32, i32) {
    %c0_i32 = arith.constant 0 : i32
    %c0_i32_0 = arith.constant 0 : i32
    return %arg0, %c0_i32 : i32, i32
  }
  func.func @transform_2(%arg0: i32) -> (i32, i32) {
    %c0_i32 = arith.constant 0 : i32
    %c0_i32_0 = arith.constant 0 : i32
    return %arg0, %c0_i32 : i32, i32
  }
}

</mosaic_0001>

<sc_bundles>
// kernel: kernel.5.cloned.1.call-start
scs
__scs_entry_jumppad:
0x0: {  	(pc) =	sbr.rel $0x88, $3  }
0x1: {  	(tag) =	ssettag $0x0;
	lr =	simm.s32 $0x1  }
0x2: {  	[smem:$0x3FA0] =	sst lr;
	_ =	strace $0xD0000000  }
0x3: {  	_ = 	snop  }
0x4: {  	_ = 	snop  }
0x5: {  	_ = 	snop  }
0x6: {  	_ = 	snop  }
0x7: {  	_ = 	snop  }
__scs_overlays_trampoline_lowered:
0x8: {  	[smem:$0x3FAF] =	sst s0  }
0x9: {  	[smem:$0x3FB0] =	sst s1  }
0xa: {  	[smem:$0x3FB1] =	sst s2  }
0xb: {  	[smem:$0x3FB2] =	sst s3  }
0xc: {  	[smem:$0x3FB3] =	sst s4  }
0xd: {  	[smem:$0x3FB4] =	sst s5  }
0xe: {  	[smem:$0x3FB5] =	sst s6  }
0xf: {  	[smem:$0x3FB6] =	sst s7  }
0x10: {  	[smem:$0x3FB7] =	sst s8  }
0x11: {  	[smem:$0x3FB8] =	sst s9;
	s0 =	simm.s32 @!p0 $0x0  }
0x12: {  	s1 =	sld [smem:$0x3F9E];
	s0 =	simm.s32 @p0 $0x1  }
0x13: {  	[smem:$0x3FB9] =	sst s0;
	s0 =	simm.s32 @!p1 $0x0  }
0x14: {  	s2 =	sld [smem:$0x3F9D];
	s0 =	simm.s32 @p1 $0x1  }
0x15: {  	[smem:$0x3FBA] =	sst s0;
	s0 =	simm.s32 @!p2 $0x0  }
0x16: {  	s3 =	sld [smem:$0x3FDB];
	s0 =	simm.s32 @p2 $0x1  }
0x17: {  	s4 =	simm.s32 $0x1BF5;
	[smem:$0x3FBC] =	sst s0  }
0x18: {  	s0 =	sld [smem:$0x3F9F];
	_ =	swait.ge [sflag:s4], $0x0  }
0x19: {  	s7 =	sld [smem:$0x3FA0]  }
0x1a: {  	s8 =	sadd.s32 $0xFFFFE003, lr  }
0x1b: {  	s9 =	sadd.s32 $0xFFFFFEF7, lr;
	s5 =	simm.s32 $0xFFFFFFFF;
	p2 =	slt.u32 s8, $0xFFFFF086  }
0x1c: {  	p1 =	slt.u32 s9, $0xF7A;
	s5 =	simm.s32 @!p2 $0x0  }
0x1d: {  	s5 =	simm.s32 @p1 $0x1;
	p0 =	seq.s32 s7, s2  }
0x1e: {  	s7 =	smul.u32 @!p0 $0xF7A, s2;
	p2 =	seq.s32 @!p0 s5, $0x0  }
0x1f: {  	s9 =	smul.u32 $0xF7A, s1;
	s8 =	simm.s32 @!p0 $0x1BF5;
	p2 =	por !p2, p0  }
0x20: {  	[sflag:s8] =	ssyncset.s32 @!p0 $0xFFFFF086;
	s6 =	sadd.s32 @!p0 s3, s7;
	s7 =	simm.s32 @!p0 $0x108  }
0x21: {  	s3 =	sadd.s32 s3, s9;
	s6 =	sadd.s32 @!p0 $0x88, s6;
	s7 =	simm.s32 @p2 $0x1082  }
0x22: {  	[simem:s7], [sflag:s8] =	dma.local @!p0 [hbm:s6], $0xF7A  }
0x23: {  	s9 =	sor.u32 $0xD0000000, s2;
	s6 =	simm.s32 $0x108;
	_ =	swait.ge @!p0 [sflag:s8], $0x0  }
0x24: {  	s3 =	sadd.s32 $0x88, s3;
	s6 =	simm.s32 @!p1 $0x1082;
	[sflag:s4] =	ssyncset.s32 $0xFFFFF086  }
0x25: {  	[simem:s6], [sflag:s4] =	dma.local [hbm:s3], $0xF7A  }
0x26: {  	[smem:$0x3FA0] =	sst s1;
	(tag) =	ssettag s2;
	_ =	strace s9  }
0x27: {  	s1 =	sld [smem:$0x3FB0]  }
0x28: {  	s2 =	sld [smem:$0x3FB1]  }
0x29: {  	s4 =	sld [smem:$0x3FB3]  }
0x2a: {  	p0 =	seq.s32 s5, $0x0;
	s5 =	sld [smem:$0x3FB4]  }
0x2b: {  	s6 =	sld [smem:$0x3FB5]  }
0x2c: {  	s7 =	sld [smem:$0x3FB6]  }
0x2d: {  	s3 =	simm.s32 $0x108;
	s8 =	sld [smem:$0x3FB7]  }
0x2e: {  	s3 =	simm.s32 @!p0 $0x1082;
	s9 =	sld [smem:$0x3FB8]  }
0x2f: {  	lr =	sadd.s32 s0, s3;
	s0 =	sld [smem:$0x3FAF]  }
0x30: {  	s3 =	sld [smem:$0x3FB2]  }
0x31: {  	[smem:$0x3FBB] =	sst s10  }
0x32: {  	s10 =	sld [smem:$0x3FB9];
	_ =	sdelay $0x3  }
0x33: {  	p0 =	seq.s32 s10, $0x1;
	s10 =	sld [smem:$0x3FBB];
	_ =	sdelay $0x3  }
0x34: {  	[smem:$0x3FBB] =	sst s10  }
0x35: {  	s10 =	sld [smem:$0x3FBA];
	_ =	sdelay $0x3  }
0x36: {  	p1 =	seq.s32 s10, $0x1;
	s10 =	sld [smem:$0x3FBB];
	_ =	sdelay $0x3  }
0x37: {  	[smem:$0x3FBB] =	sst s10  }
0x38: {  	s10 =	sld [smem:$0x3FBC]  }
0x39: {  	_ = 	snop;
	(pc) =	sbr.ind lr, $3  }
0x3a: {  	_ = 	snop  }
0x3b: {  	_ = 	snop  }
0x3c: {  	p2 =	seq.s32 s10, $0x1;
	s10 =	sld [smem:$0x3FBB]  }
0x3d: {  	_ =	shalt  }
0x3e: {  	_ =	shalt  }
0x3f: {  	_ =	shalt  }
0x40: {  	_ =	shalt  }
0x41: {  	_ =	shalt  }
0x42: {  	_ =	shalt  }
0x43: {  	_ =	shalt  }
0x44: {  	_ =	shalt  }
0x45: {  	_ =	shalt  }
0x46: {  	_ =	shalt  }
0x47: {  	_ =	shalt  }
0x48: {  	_ =	shalt  }
0x49: {  	_ =	shalt  }
0x4a: {  	_ =	shalt  }
0x4b: {  	_ =	shalt  }
0x4c: {  	_ =	shalt  }
0x4d: {  	_ =	shalt  }
0x4e: {  	_ =	shalt  }
0x4f: {  	_ =	shalt  }
0x50: {  	_ =	shalt  }
0x51: {  	_ =	shalt  }
0x52: {  	_ =	shalt  }
0x53: {  	_ =	shalt  }
0x54: {  	_ =	shalt  }
0x55: {  	_ =	shalt  }
0x56: {  	_ =	shalt  }
0x57: {  	_ =	shalt  }
0x58: {  	_ =	shalt  }
0x59: {  	_ =	shalt  }
0x5a: {  	_ =	shalt  }
0x5b: {  	_ =	shalt  }
0x5c: {  	_ =	shalt  }
0x5d: {  	_ =	shalt  }
0x5e: {  	_ =	shalt  }
0x5f: {  	_ =	shalt  }
0x60: {  	_ =	shalt  }
0x61: {  	_ =	shalt  }
0x62: {  	_ =	shalt  }
0x63: {  	_ =	shalt  }
0x64: {  	_ =	shalt  }
0x65: {  	_ =	shalt  }
0x66: {  	_ =	shalt  }
0x67: {  	_ =	shalt  }
0x68: {  	_ =	shalt  }
0x69: {  	_ =	shalt  }
0x6a: {  	_ =	shalt  }
0x6b: {  	_ =	shalt  }
0x6c: {  	_ =	shalt  }
0x6d: {  	_ =	shalt  }
0x6e: {  	_ =	shalt  }
0x6f: {  	_ =	shalt  }
0x70: {  	_ =	shalt  }
0x71: {  	_ =	shalt  }
0x72: {  	_ =	shalt  }
0x73: {  	_ =	shalt  }
0x74: {  	_ =	shalt  }
0x75: {  	_ =	shalt  }
0x76: {  	_ =	shalt  }
0x77: {  	_ =	shalt  }
0x78: {  	_ =	shalt  }
0x79: {  	_ =	shalt  }
0x7a: {  	_ =	shalt  }
0x7b: {  	_ =	shalt  }
0x7c: {  	_ =	shalt  }
0x7d: {  	_ =	shalt  }
0x7e: {  	_ =	shalt  }
0x7f: {  	_ =	shalt  }
0x80: {  	_ =	shalt  }
0x81: {  	_ =	shalt  }
0x82: {  	_ =	shalt  }
0x83: {  	_ =	shalt  }
0x84: {  	_ =	shalt  }
0x85: {  	_ =	shalt  }
0x86: {  	_ =	shalt  }
0x87: {  	_ =	shalt  }
.Lfunc_end0:
.L_simem_size_0:
called_computation_lowered:
.L_overlay_start_0:
0x88: {  	s2 =	sld [smem:$0x3FD9]  }
0x89: {  	s3 =	sld [smem:$0x3FFE];
	_ =	sdelay $0x1  }
0x8a: {  	s1 =	srdreg.scid  }
0x8b: {  	s0 =	sand.u32 $0x1, s1  }
0x8c: {  	s17 =	sshll.u32 s0, $0xA;
	s2 =	sadd.s32 s3, s2  }
0x8d: {  	s2 =	sadd.s32 s2, s17  }
0x8e: {  	[smem:$0x3FC7] =	sst s2  }
0x8f: {  	_ = 	snop  }
0x90: {  	s2 =	sld [smem:$0x3FD0];
	(tm) =	ssettm $0x1  }
0x91: {  	s18 =	sld [smem:$0x3FFB];
	_ =	sdelay $0x3  }
0x92: {  	_ =	strace s18  }
0x93: {  	s3 =	sld [smem:$0x3FFC];
	_ =	sdelay $0x3  }
0x94: {  	_ =	strace s3  }
0x95: {  	s3 =	sld [smem:$0x3FFD];
	_ =	sdelay $0x3  }
0x96: {  	_ =	strace s3  }
0x97: {  	_ =	strace $0x8FFFFFFF  }
0x98: {  	s19 =	sld [smem:$0x3FDB];
	_ =	sdelay $0x1  }
0x99: {  	s4 =	simm.s32 $_scs_section_size  }
0x9a: {  	s5 =	simm.s32 $_size__tile_overlayer_lowered;
	s6 =	simm.s32 $_tile_overlayer_lowered  }
0x9b: {  	s22 =	simm.s32 $0x1BFF;
	s21 =	sshll.u32 s6, $0x1;
	s3 =	sadd.s32 s4, s19  }
0x9c: {  	s7 =	simm.s32 $0x0;
	s20 =	sshll.u32 s5, $0x1;
	s5 =	sadd.s32 s21, s3  }
0x9d: {  	[timem:s7], [sflag:s22] =	dma.local [hbm:s5], s20  }
0x9e: {  	_ =	swait.ge [sflag:s22], s20  }
0x9f: {  	s4 =	ssub.s32 $0x0, s20;
	[sflag:s22] =	ssyncset.done $0x0  }
0xa0: {  	[sflag:s22] =	ssyncadd.s32 s4;
	_ =	sdelay $0x1  }
0xa1: {  	s23 =	simm.s32 $0x1B8B  }
0xa2: {  	_ =	swait.ge [sflag:s23], $0x1  }
0xa3: {  	[sflag:s23] =	ssyncset.done $0x0  }
0xa4: {  	s25 =	simm.s32 $0x1B8E;
	s24 =	sld [smem:$0x3FFE];
	[sflag:s23] =	ssyncadd.s32 $0xFFFFFFFF  }
0xa5: {  	s26 =	simm.s32 $execute0_lowered;
	[smem:$0x3FD2] =	sst s25  }
0xa6: {  	s5 =	sshll.u32 s26, $0x1;
	_ =	strace $0x80000046;
	[dreg:$0x1] =	wrdreg $0xFFFFFFFF  }
0xa7: {  	s28 =	simm.s32 $_size_execute0_lowered;
	s3 =	sadd.s32 s3, s5;
	[dreg:$0x0] =	wrdreg $0x0  }
0xa8: {  	s5 =	sshll.u32 s28, $0x1;
	[dreg:$0x2] =	wrdreg s3  }
0xa9: {  	[dreg:$0x3] =	wrdreg s5  }
0xaa: {  	[dreg:$0x4] =	wrdreg $0xC0  }
0xab: {  	_ =	task [dreg:s7], $0x5FFFF  }
0xac: {  	[dreg:$0x1] =	wrdreg $0xFFFFFFFF  }
0xad: {  	[dreg:$0x0] =	wrdreg $0x60  }
0xae: {  	[dreg:$0x2] =	wrdreg s2  }
0xaf: {  	[dreg:$0x3] =	wrdreg s24  }
0xb0: {  	[dreg:$0x4] =	wrdreg $0x9  }
0xb1: {  	_ =	task.clear_ibuf [dreg:s7], $0x5FFFF;
	_ =	strace $0x90000046  }
0xb2: {  	s29 =	simm.s32 $0x9;
	_ =	strace $0x80000048  }
0xb3: {  	_ =	swait.ge [sflag:s29], $0x1  }
0xb4: {  	[sflag:s29] =	ssyncadd.s32 $0xFFFFFFFF  }
0xb5: {  	_ =	strace $0x90000048  }
0xb6: {  	_ =	sfence  }
0xb7: {  	s30 =	sld [smem:$0x0];
	_ =	sdelay $0x2  }
0xb8: {  	s31 =	sshll.u32 s1, $0xD;
	s1 =	sshrl.u32 s1, $0x2  }
0xb9: {  	s3 =	sand.u32 $0x4000, s31;
	s1 =	sadd.s32 s1, s30  }
0xba: {  	s0 =	sor.u32 s3, s0;
	s1 =	sshll.u32 s1, $0x11  }
0xbb: {  	s0 =	sor.u32 s1, s0  }
0xbc: {  	s0 =	sadd.s32 $0x8F2B, s0  }
0xbd: {  	[sflag:s0] =	ssyncadd.remote.s32 $0x1  }
0xbe: {  	_ =	sfence.sel $0xFFFF  }
0xbf: {  	[dreg:$0x0] =	wrdreg $0xFFFFFFFF;
	(pc) =	sbr.abs _section_cstart, $3  }
0xc0: {  	[dreg:$0x1] =	wrdreg $0xFFFFFFFF  }
0xc1: {  	_ =	task.clear_ibuf [dreg:s7], $0x2FFFF;
	_ =	strace $0x9FFFFFFF  }
0xc2: {  	(tm) =	ssettm $0x7FFFFFFF  }
0xc3: {  	_ =	shalt  }
tec
execute0_lowered:
.L_overlay_start_1:
0x0: {  	(tag) =	ssettag $0x1  }
0x1: {  	s3 =	rddreg [dreg:$0x0]  }
0x2: {  	s4 =	rddreg [dreg:$0x1]  }
0x3: {  	s0 =	rddreg [dreg:$0x2]  }
0x4: {  	s2 =	simm.s32 $0x0;
	s5 =	srdreg.scid;
	s1 =	stileid.u32  }
0x5: {  	s9 =	simm.s32 $0x2000;
	s10 =	simm.s32 $0x1;
	s11 =	simm.s32 $0x4000  }
0x6: {  	s12 =	simm.s32 $0x2;
	s13 =	simm.s32 $0x8000;
	s14 =	simm.s32 $0x3  }
0x7: {  	[smem:$0x7FF] =	sst s2;
	s5 =	sand.u32 $0x1, s5;
	s6 =	sshll.u32 s1, $0x1  }
0x8: {  	s15 =	simm.s32 $0x0;
	_ =	strace $0x80000047;
	s6 =	sor.u32 s5, s6  }
0x9: {  	v0 =	vlaneseq.u32;
	s5 =	ssub.s32 $0x2, s5;
	s7 =	sshll.u32 s6, $0x5;
	s6 =	sshll.u32 s6, $0xC  }
0xa: {  	v1 =	vmul.u32 $0x100, v0;
	s8 =	sshrl.u32 s5, $0x1;
	s7 =	sadd.s32 s7, s4;
	s3 =	sadd.s32 s3, s6  }
0xb: {  	v2 =	vimm.f32 $0.0e+00;
	v3 =	vimm.f32 $1.000000000e+00;
	s8 =	ssub.s32 s5, s8;
	s4 =	sadd.s32 $0x400, s3;
	s5 =	sadd.s32 $0x800, s3  }
0xc: {  	v4 =	vor.u32 $0x1000, v1;
	v5 =	vor.u32 $0x2000, v1;
	v6 =	vor.u32 $0x3000, v1;
	s6 =	sadd.s32 $0xC00, s3;
	s7 =	sadd.s32 $0x400, s7;
	s8 =	smax.u32 s8, $0x1  }
.LBB2_1:
0xd: {  	s16 =	simm.s32 $0x4020  }
0xe: {  	[tilespmem:s16+$0xFFFFFFE0] =	vst v2  }
0xf: {  	[tilespmem:s16+$0x10] =	vst v2  }
0x10: {  	s17 =	simm.s32 $0x0;
	[tilespmem:s16+$0x0] =	vst v2  }
.LBB2_2:
0x11: {  	s17 =	sadd.s32 $0x4, s17  }
0x12: {  	[tilespmem:s16+$0xFFFFFFF0] =	vst v2;
	s16 =	sadd.s32 $0x40, s16;
	p0 =	slt.u32 s17, $0x3FC  }
.Ltmp0:
0x13: {  	[tilespmem:s16+$0xFFFFFFE0] =	vst v2;
	(pc) =	sbr.rel @p0 .LBB2_2-.Ltmp0, $3  }
0x14: {  	_ =	sdelay $0x1  }
0x15: {  	[tilespmem:s16+$0x10] =	vst v2  }
0x16: {  	[tilespmem:s16+$0x0] =	vst v2  }
0x17: {  	[tilespmem:s16+$0xFFFFFFF0] =	vst v2  }
0x18: {  	[tilespmem:$0x8000] =	vst v2  }
0x19: {  	[tilespmem:$0x8010] =	vst v2  }
0x1a: {  	[tilespmem:$0x8020] =	vst v2  }
0x1b: {  	[tilespmem:$0x8030] =	vst v2  }
0x1c: {  	[tilespmem:$0x8040] =	vst v2  }
0x1d: {  	[tilespmem:$0x8050] =	vst v2  }
0x1e: {  	[tilespmem:$0x8060] =	vst v2  }
0x1f: {  	[tilespmem:$0x8070] =	vst v2  }
0x20: {  	[tilespmem:$0x8080] =	vst v2  }
0x21: {  	[tilespmem:$0x8090] =	vst v2  }
0x22: {  	[tilespmem:$0x80A0] =	vst v2  }
0x23: {  	[tilespmem:$0x80B0] =	vst v2  }
0x24: {  	[tilespmem:$0x80C0] =	vst v2  }
0x25: {  	[tilespmem:$0x80D0] =	vst v2  }
0x26: {  	[tilespmem:$0x80E0] =	vst v2  }
0x27: {  	[tilespmem:$0x80F0] =	vst v2  }
0x28: {  	[tilespmem:s2], [sflag:$0x1] =	stream.linear.gather [hbm4b:s3+s2], $0x2000, $0x38;
	[tilespmem:$0x8100] =	vst v63  }
0x29: {  	_ = 	snop  }
0x2a: {  	[tilespmem:s9], [sflag:$0x2] =	stream.linear.gather [hbm4b:s4+s2], $0x2000, $0x38;
	[tilespmem:$0x8100] =	vst v63  }
0x2b: {  	_ =	swait.ge [sflag:s10], $0x2000  }
0x2c: {  	[sflag:s10] =	ssyncset.done $0x0  }
0x2d: {  	s16 =	simm.s32 $0x40;
	[sflag:s10] =	ssyncadd.s32 $0xFFFFE000  }
0x2e: {  	v15 =	vld [tilespmem:s16+$0xFFFFFFD0]  }
0x2f: {  	v7 =	vld [tilespmem:s16+$0xFFFFFFC0]  }
0x30: {  	v16 =	vld [tilespmem:s16+$0x10]  }
0x31: {  	v18 =	vld [tilespmem:s16+$0x0]  }
0x32: {  	v20 =	vld [tilespmem:s16+$0x20]  }
0x33: {  	v24 =	vld [tilespmem:s16+$0x30]  }
0x34: {  	v19 =	vld [tilespmem:s16+$0xFFFFFFE0]  }
0x35: {  	v21 =	vld [tilespmem:s16+$0xFFFFFFF0]  }
0x36: {  	v8 =	vshrl.u32 v15, $0x10;
	v9 =	vshrl.u32 v7, $0x8;
	v10 =	vshrl.u32 v7, $0x10  }
0x37: {  	v11 =	vand.u32 $0xFF, v7;
	v7 =	vshrl.u32 v7, $0x18;
	v25 =	vshrl.u32 v20, $0x10  }
0x38: {  	v26 =	vshrl.u32 v24, $0x18;
	v23 =	vshrl.u32 v16, $0x10;
	v33 =	vand.u32 $0xFF, v18  }
0x39: {  	v34 =	vshrl.u32 v16, $0x8;
	v36 =	vshrl.u32 v18, $0x8;
	v38 =	vshrl.u32 v19, $0x8  }
0x3a: {  	v9 =	vand.u32 $0xFF, v9;
	v22 =	vor.u32 v1, v11;
	v11 =	vshrl.u32 v21, $0x10  }
0x3b: {  	v31 =	vand.u32 $0xFF, v25;
	v25 =	vshrl.u32 v20, $0x18;
	v36 =	vand.u32 $0xFF, v36  }
0x3c: {  	v33 =	vor.u32 v1, v33;
	v28 =	vor.u32 v4, v9;
	v9 =	vand.u32 $0xFF, v10  }
0x3d: {  	v10 =	vand.u32 $0xF8, v7;
	v7 =	vand.u32 $0x7, v7;
	v12 =	vand.u32 $0xFF, v11  }
0x3e: {  	v30 =	vor.u32 v5, v9;
	v9 =	vor.u32 v6, v10;
	v10 =	vshrl.u32 v16, $0x18  }
0x3f: {  	v17 =	vor.u32 v7, v9;
	v7 =	vand.u32 $0xF8, v10;
	v9 =	vshrl.u32 v18, $0x10  }
0x40: {  	v18 =	vshrl.u32 v18, $0x18;
	v11 =	vor.u32 v6, v7;
	v7 =	vshrl.u32 v19, $0x10  }
0x41: {  	v13 =	vand.u32 $0xFF, v9;
	v9 =	vand.u32 $0xF8, v26;
	v26 =	vand.u32 $0x7, v26  }
0x42: {  	v14 =	vand.u32 $0xFF, v7;
	v7 =	vshrl.u32 v19, $0x18;
	v27 =	vor.u32 v6, v9  }
0x43: {  	v9 =	vand.u32 $0xFF, v8;
	[tilespmem:v22+s11+$0x0] =	vst.idx.add.f32.msk $0xffff, v3;
	v22 =	vand.u32 $0xFF, v15;
	v8 =	vand.u32 $0xF8, v7  }
0x44: {  	v32 =	vor.u32 v26, v27;
	v26 =	vshrl.u32 v24, $0x8;
	v27 =	vshrl.u32 v24, $0x10  }
0x45: {  	v24 =	vand.u32 $0xFF, v24;
	[tilespmem:v28+s11+$0x0] =	vst.idx.add.f32.msk $0xffff, v3;
	v39 =	vor.u32 v1, v22;
	v28 =	vand.u32 $0xFF, v38  }
0x46: {  	v8 =	vor.u32 v6, v8;
	v24 =	vor.u32 v1, v24;
	v29 =	vand.u32 $0xFF, v27  }
0x47: {  	v27 =	vand.u32 $0xFF, v16;
	v26 =	vand.u32 $0xFF, v26;
	v16 =	vshrl.u32 v21, $0x18  }
0x48: {  	v35 =	vor.u32 v5, v29;
	v29 =	vand.u32 $0xF8, v18;
	v37 =	vor.u32 v4, v26  }
0x49: {  	v26 =	vor.u32 v5, v31;
	v31 =	vand.u32 $0xFF, v19;
	v19 =	vand.u32 $0xFF, v20  }
0x4a: {  	[tilespmem:v30+s11+$0x0] =	vst.idx.add.f32.msk $0xffff, v3;
	v63 =	vor.u32 v1, v19;
	v19 =	vshrl.u32 v15, $0x8;
	v15 =	vshrl.u32 v15, $0x18  }
0x4b: {  	v20 =	vshrl.u32 v20, $0x8;
	v19 =	vand.u32 $0xFF, v19;
	v22 =	vand.u32 $0xF8, v15;
	[tilespmem:v39+s11+$0x0] =	vst.idx.add.f32.msk $0xffff, v3  }
0x4c: {  	v20 =	vand.u32 $0xFF, v20;
	v19 =	vor.u32 v4, v19;
	v30 =	vor.u32 v6, v22;
	[tilespmem:v24+s11+$0x0] =	vst.idx.add.f32.msk $0xffff, v3  }
0x4d: {  	v15 =	vand.u32 $0x7, v15;
	v22 =	vor.u32 v1, v31;
	v31 =	vor.u32 v4, v36;
	[tilespmem:v37+s11+$0x0] =	vst.idx.add.f32.msk $0xffff, v3  }
0x4e: {  	v24 =	vand.u32 $0xFF, v34;
	v34 =	vor.u32 v4, v20;
	v15 =	vor.u32 v15, v30;
	[tilespmem:v35+s11+$0x0] =	vst.idx.add.f32.msk $0xffff, v3  }
0x4f: {  	v20 =	vor.u32 v4, v28;
	v30 =	vshrl.u32 v21, $0x8;
	v21 =	vand.u32 $0xFF, v21;
	[tilespmem:v63+s11+$0x0] =	vst.idx.add.f32.msk $0xffff, v3  }
0x50: {  	s17 =	simm.s32 $0x0;
	v28 =	vand.u32 $0xF8, v25;
	v35 =	vor.u32 v1, v21;
	[tilespmem:v32+s11+$0x0] =	vst.idx.add.f32.msk $0xffff, v3;
	v32 =	vand.u32 $0xFF, v30  }
.LBB2_4:
0x51: {  	s17 =	sadd.s32 $0x8, s17;
	[tilespmem:v17+s11+$0x0] =	vst.idx.add.f32.msk $0xffff, v3;
	v36 =	vor.u32 v4, v24;
	v17 =	vand.u32 $0xFF, v23;
	v23 =	vor.u32 v6, v28;
	s16 =	sadd.s32 $0x80, s16  }
0x52: {  	v21 =	vand.u32 $0xF8, v16;
	v29 =	vor.u32 v6, v29;
	v24 =	vld [tilespmem:s16+$0xFFFFFFD0];
	p0 =	slt.u32 s17, $0x1F8;
	v37 =	vor.u32 v5, v17  }
0x53: {  	v38 =	vor.u32 v6, v21;
	v17 =	vld [tilespmem:s16+$0xFFFFFFC0]  }
0x54: {  	v28 =	vld [tilespmem:s16+$0xFFFFFFE0]  }
0x55: {  	v21 =	vld [tilespmem:s16+$0xFFFFFFF0]  }
0x56: {  	v27 =	vor.u32 v1, v27;
	v25 =	vand.u32 $0x7, v25;
	v39 =	vld [tilespmem:s16+$0x0]  }
0x57: {  	v23 =	vor.u32 v25, v23;
	v40 =	vshrl.u32 v24, $0x10;
	v41 =	vld [tilespmem:s16+$0x10]  }
0x58: {  	v25 =	vshrl.u32 v17, $0x8;
	v42 =	vshrl.u32 v17, $0x10;
	v43 =	vand.u32 $0xFF, v17;
	v30 =	vld [tilespmem:s16+$0x20]  }
0x59: {  	v17 =	vshrl.u32 v17, $0x18;
	v43 =	vor.u32 v1, v43;
	v25 =	vand.u32 $0xFF, v25;
	v44 =	vld [tilespmem:s16+$0x30]  }
0x5a: {  	v42 =	vand.u32 $0xFF, v42;
	v45 =	vand.u32 $0xF8, v17;
	v25 =	vor.u32 v4, v25;
	[tilespmem:v34+s11+$0x0] =	vst.idx.add.f32.msk $0xffff, v3  }
0x5b: {  	v17 =	vand.u32 $0x7, v17;
	v34 =	vor.u32 v5, v42;
	v42 =	vor.u32 v6, v45;
	[tilespmem:v26+s11+$0x0] =	vst.idx.add.f32.msk $0xffff, v3  }
0x5c: {  	v17 =	vor.u32 v17, v42;
	v26 =	vshrl.u32 v21, $0x10;
	v42 =	vshrl.u32 v41, $0x18;
	[tilespmem:v27+s11+$0x0] =	vst.idx.add.f32.msk $0xffff, v3  }
0x5d: {  	v26 =	vand.u32 $0xFF, v26;
	v27 =	vand.u32 $0xF8, v42;
	v45 =	vshrl.u32 v30, $0x10;
	[tilespmem:v35+s11+$0x0] =	vst.idx.add.f32.msk $0xffff, v3  }
0x5e: {  	v35 =	vshrl.u32 v39, $0x10;
	v27 =	vor.u32 v6, v27;
	v46 =	vshrl.u32 v44, $0x18;
	[tilespmem:v23+s11+$0x0] =	vst.idx.add.f32.msk $0xffff, v3  }
0x5f: {  	v23 =	vshrl.u32 v28, $0x10;
	v35 =	vand.u32 $0xFF, v35;
	[tilespmem:v43+s11+$0x0] =	vst.idx.add.f32.msk $0xffff, v3;
	v43 =	vand.u32 $0xF8, v46  }
0x60: {  	[tilespmem:v25+s11+$0x0] =	vst.idx.add.f32.msk $0xffff, v3;
	v25 =	vand.u32 $0xFF, v23;
	v43 =	vor.u32 v6, v43;
	v23 =	vand.u32 $0x7, v10;
	v10 =	vmovc v42  }
0x61: {  	[tilespmem:v34+s11+$0x0] =	vst.idx.add.f32.msk $0xffff, v3;
	v34 =	vand.u32 $0xFF, v40;
	v40 =	vshrl.u32 v28, $0x18;
	v23 =	vor.u32 v23, v11;
	v11 =	vmovc v27  }
0x62: {  	v27 =	vand.u32 $0xF8, v40;
	[tilespmem:v33+s11+$0x0] =	vst.idx.add.f32.msk $0xffff, v3  }
0x63: {  	v33 =	vand.u32 $0x7, v7;
	v7 =	vmov v40;
	v27 =	vor.u32 v6, v27;
	[tilespmem:v36+s11+$0x0] =	vst.idx.add.f32.msk $0xffff, v3  }
0x64: {  	v33 =	vor.u32 v33, v8;
	[tilespmem:v31+s11+$0x0] =	vst.idx.add.f32.msk $0xffff, v3;
	v8 =	vmov v27  }
0x65: {  	v31 =	vor.u32 v5, v9;
	v27 =	vor.u32 v4, v32;
	v9 =	vmov v34;
	[tilespmem:v37+s11+$0x0] =	vst.idx.add.f32.msk $0xffff, v3  }
0x66: {  	v18 =	vand.u32 $0x7, v18;
	v32 =	vor.u32 v5, v14;
	v34 =	vor.u32 v5, v12;
	[tilespmem:v23+s11+$0x0] =	vst.idx.add.f32.msk $0xffff, v3  }
0x67: {  	v14 =	vand.u32 $0x7, v16;
	v16 =	vor.u32 v5, v13;
	[tilespmem:v22+s11+$0x0] =	vst.idx.add.f32.msk $0xffff, v3;
	v22 =	vor.u32 v18, v29  }
0x68: {  	v12 =	vmovc v26;
	v23 =	vshrl.u32 v41, $0x10;
	v18 =	vand.u32 $0x7, v46;
	[tilespmem:v19+s11+$0x0] =	vst.idx.add.f32.msk $0xffff, v3;
	v19 =	vor.u32 v14, v38  }
0x69: {  	v36 =	vand.u32 $0xFF, v39;
	v26 =	vand.u32 $0xFF, v45;
	v13 =	vmovc v35;
	v37 =	vor.u32 v18, v43;
	[tilespmem:v20+s11+$0x0] =	vst.idx.add.f32.msk $0xffff, v3  }
0x6a: {  	v29 =	vand.u32 $0xFF, v44;
	v18 =	vshrl.u32 v44, $0x10;
	v14 =	vmovc v25;
	v20 =	vshrl.u32 v44, $0x8;
	[tilespmem:v27+s11+$0x0] =	vst.idx.add.f32.msk $0xffff, v3  }
0x6b: {  	v25 =	vshrl.u32 v30, $0x18;
	v35 =	vor.u32 v1, v29;
	v18 =	vand.u32 $0xFF, v18;
	[tilespmem:v34+s11+$0x0] =	vst.idx.add.f32.msk $0xffff, v3  }
0x6c: {  	v27 =	vand.u32 $0xFF, v41;
	v38 =	vor.u32 v5, v18;
	v34 =	vshrl.u32 v41, $0x8;
	[tilespmem:v16+s11+$0x0] =	vst.idx.add.f32.msk $0xffff, v3  }
0x6d: {  	v40 =	vshrl.u32 v39, $0x8;
	v18 =	vshrl.u32 v39, $0x18;
	v20 =	vand.u32 $0xFF, v20;
	[tilespmem:v22+s11+$0x0] =	vst.idx.add.f32.msk $0xffff, v3  }
0x6e: {  	v29 =	vand.u32 $0xF8, v18;
	v20 =	vor.u32 v4, v20;
	v16 =	vshrl.u32 v21, $0x18;
	[tilespmem:v19+s11+$0x0] =	vst.idx.add.f32.msk $0xffff, v3  }
0x6f: {  	v26 =	vor.u32 v5, v26;
	v39 =	vand.u32 $0xFF, v40;
	v19 =	vshrl.u32 v28, $0x8;
	[tilespmem:v32+s11+$0x0] =	vst.idx.add.f32.msk $0xffff, v3  }
0x70: {  	v22 =	vand.u32 $0xFF, v24;
	v28 =	vand.u32 $0xFF, v28;
	v32 =	vand.u32 $0xFF, v30;
	[tilespmem:v31+s11+$0x0] =	vst.idx.add.f32.msk $0xffff, v3  }
0x71: {  	v40 =	vor.u32 v1, v22;
	v31 =	vand.u32 $0xFF, v19;
	v32 =	vor.u32 v1, v32;
	[tilespmem:v15+s11+$0x0] =	vst.idx.add.f32.msk $0xffff, v3  }
0x72: {  	v22 =	vshrl.u32 v24, $0x18;
	v19 =	vshrl.u32 v30, $0x8;
	v15 =	vshrl.u32 v24, $0x8;
	[tilespmem:v35+s11+$0x0] =	vst.idx.add.f32.msk $0xffff, v3  }
0x73: {  	v24 =	vand.u32 $0xF8, v22;
	v30 =	vand.u32 $0xFF, v19;
	v15 =	vand.u32 $0xFF, v15;
	[tilespmem:v20+s11+$0x0] =	vst.idx.add.f32.msk $0xffff, v3  }
.Ltmp1:
0x74: {  	v19 =	vor.u32 v4, v15;
	v15 =	vor.u32 v6, v24;
	v24 =	vand.u32 $0xFF, v34;
	[tilespmem:v33+s11+$0x0] =	vst.idx.add.f32.msk $0xffff, v3;
	(pc) =	sbr.rel @p0 .LBB2_4-.Ltmp1, $4  }
0x75: {  	v20 =	vand.u32 $0x7, v22;
	v22 =	vor.u32 v1, v28;
	v34 =	vor.u32 v4, v30;
	[tilespmem:v38+s11+$0x0] =	vst.idx.add.f32.msk $0xffff, v3  }
0x76: {  	v28 =	vand.u32 $0xF8, v25;
	v15 =	vor.u32 v20, v15;
	v20 =	vor.u32 v4, v31;
	[tilespmem:v37+s11+$0x0] =	vst.idx.add.f32.msk $0xffff, v3  }
0x77: {  	v30 =	vshrl.u32 v21, $0x8;
	v21 =	vand.u32 $0xFF, v21;
	v31 =	vor.u32 v4, v39;
	[tilespmem:v32+s11+$0x0] =	vst.idx.add.f32.msk $0xffff, v3  }
0x78: {  	v35 =	vor.u32 v1, v21;
	v33 =	vor.u32 v1, v36;
	v32 =	vand.u32 $0xFF, v30;
	[tilespmem:v40+s11+$0x0] =	vst.idx.add.f32.msk $0xffff, v3  }
0x79: {  	_ =	sdelay $0x3  }
0x7a: {  	[tilespmem:v17+s11+$0x0] =	vst.idx.add.f32.msk $0xffff, v3  }
0x7b: {  	[tilespmem:v34+s11+$0x0] =	vst.idx.add.f32.msk $0xffff, v3  }
0x7c: {  	[tilespmem:v35+s11+$0x0] =	vst.idx.add.f32.msk $0xffff, v3  }
0x7d: {  	[tilespmem:v33+s11+$0x0] =	vst.idx.add.f32.msk $0xffff, v3  }
0x7e: {  	v21 =	vor.u32 v1, v27;
	[tilespmem:v22+s11+$0x0] =	vst.idx.add.f32.msk $0xffff, v3  }
0x7f: {  	v13 =	vor.u32 v5, v13;
	[tilespmem:v19+s11+$0x0] =	vst.idx.add.f32.msk $0xffff, v3  }
0x80: {  	v14 =	vor.u32 v5, v14;
	[tilespmem:v26+s11+$0x0] =	vst.idx.add.f32.msk $0xffff, v3  }
0x81: {  	v27 =	vor.u32 v6, v28;
	v25 =	vand.u32 $0x7, v25;
	v9 =	vor.u32 v5, v9;
	[tilespmem:v31+s11+$0x0] =	vst.idx.add.f32.msk $0xffff, v3  }
0x82: {  	v17 =	vor.u32 v25, v27;
	[tilespmem:v20+s11+$0x0] =	vst.idx.add.f32.msk $0xffff, v3  }
0x83: {  	v24 =	vor.u32 v4, v24;
	v23 =	vand.u32 $0xFF, v23;
	[tilespmem:v21+s11+$0x0] =	vst.idx.add.f32.msk $0xffff, v3  }
0x84: {  	v10 =	vand.u32 $0x7, v10;
	v21 =	vor.u32 v5, v23;
	[tilespmem:v13+s11+$0x0] =	vst.idx.add.f32.msk $0xffff, v3  }
0x85: {  	v10 =	vor.u32 v10, v11;
	[tilespmem:v14+s11+$0x0] =	vst.idx.add.f32.msk $0xffff, v3  }
0x86: {  	v11 =	vor.u32 v4, v32;
	[tilespmem:v9+s11+$0x0] =	vst.idx.add.f32.msk $0xffff, v3  }
0x87: {  	v7 =	vand.u32 $0x7, v7;
	[tilespmem:v17+s11+$0x0] =	vst.idx.add.f32.msk $0xffff, v3  }
0x88: {  	v7 =	vor.u32 v7, v8;
	[tilespmem:v24+s11+$0x0] =	vst.idx.add.f32.msk $0xffff, v3;
	v17 =	vand.u32 $0xF8, v16  }
0x89: {  	v12 =	vor.u32 v5, v12;
	v16 =	vand.u32 $0x7, v16;
	v17 =	vor.u32 v6, v17;
	[tilespmem:v21+s11+$0x0] =	vst.idx.add.f32.msk $0xffff, v3  }
0x8a: {  	v18 =	vand.u32 $0x7, v18;
	v16 =	vor.u32 v16, v17;
	[tilespmem:v10+s11+$0x0] =	vst.idx.add.f32.msk $0xffff, v3;
	v10 =	vor.u32 v6, v29  }
0x8b: {  	[tilespmem:v11+s11+$0x0] =	vst.idx.add.f32.msk $0xffff, v3;
	v10 =	vor.u32 v18, v10  }
0x8c: {  	[tilespmem:v15+s11+$0x0] =	vst.idx.add.f32.msk $0xffff, v3  }
0x8d: {  	[tilespmem:v7+s11+$0x0] =	vst.idx.add.f32.msk $0xffff, v3  }
0x8e: {  	[tilespmem:v12+s11+$0x0] =	vst.idx.add.f32.msk $0xffff, v3  }
0x8f: {  	[tilespmem:v16+s11+$0x0] =	vst.idx.add.f32.msk $0xffff, v3  }
0x90: {  	[tilespmem:v10+s11+$0x0] =	vst.idx.add.f32.msk $0xffff, v3  }
0x91: {  	[tilespmem:s2], [sflag:$0x1] =	stream.linear.gather [hbm4b:s5+s2], $0x2000, $0x38;
	[tilespmem:$0x8100] =	vst v63  }
0x92: {  	_ =	swait.ge [sflag:s12], $0x2000  }
0x93: {  	[sflag:s12] =	ssyncset.done $0x0  }
0x94: {  	s16 =	simm.s32 $0x2040;
	[sflag:s12] =	ssyncadd.s32 $0xFFFFE000  }
0x95: {  	v15 =	vld [tilespmem:s16+$0xFFFFFFD0]  }
0x96: {  	v7 =	vld [tilespmem:s16+$0xFFFFFFC0]  }
0x97: {  	v16 =	vld [tilespmem:s16+$0x10]  }
0x98: {  	v18 =	vld [tilespmem:s16+$0x0]  }
0x99: {  	v20 =	vld [tilespmem:s16+$0x20]  }
0x9a: {  	v24 =	vld [tilespmem:s16+$0x30]  }
0x9b: {  	v19 =	vld [tilespmem:s16+$0xFFFFFFE0]  }
0x9c: {  	v21 =	vld [tilespmem:s16+$0xFFFFFFF0]  }
0x9d: {  	v8 =	vshrl.u32 v15, $0x10;
	v9 =	vshrl.u32 v7, $0x8;
	v10 =	vshrl.u32 v7, $0x10  }
0x9e: {  	v11 =	vand.u32 $0xFF, v7;
	v7 =	vshrl.u32 v7, $0x18;
	v25 =	vshrl.u32 v20, $0x10  }
0x9f: {  	v26 =	vshrl.u32 v24, $0x18;
	v23 =	vshrl.u32 v16, $0x10;
	v59 =	vand.u32 $0xFF, v18  }
0xa0: {  	v61 =	vshrl.u32 v16, $0x8;
	v36 =	vshrl.u32 v18, $0x8;
	v38 =	vshrl.u32 v19, $0x8  }
0xa1: {  	v9 =	vand.u32 $0xFF, v9;
	v22 =	vor.u32 v1, v11;
	v11 =	vshrl.u32 v21, $0x10  }
0xa2: {  	v31 =	vand.u32 $0xFF, v25;
	v25 =	vshrl.u32 v20, $0x18;
	v36 =	vand.u32 $0xFF, v36  }
0xa3: {  	v33 =	vor.u32 v1, v59;
	v28 =	vor.u32 v4, v9;
	v9 =	vand.u32 $0xFF, v10  }
0xa4: {  	v10 =	vand.u32 $0xF8, v7;
	v7 =	vand.u32 $0x7, v7;
	v12 =	vand.u32 $0xFF, v11  }
0xa5: {  	v30 =	vor.u32 v5, v9;
	v9 =	vor.u32 v6, v10;
	v10 =	vshrl.u32 v16, $0x18  }
0xa6: {  	v17 =	vor.u32 v7, v9;
	v7 =	vand.u32 $0xF8, v10;
	v9 =	vshrl.u32 v18, $0x10  }
0xa7: {  	v18 =	vshrl.u32 v18, $0x18;
	v11 =	vor.u32 v6, v7;
	v7 =	vshrl.u32 v19, $0x10  }
0xa8: {  	v13 =	vand.u32 $0xFF, v9;
	v9 =	vand.u32 $0xF8, v26;
	v26 =	vand.u32 $0x7, v26  }
0xa9: {  	v14 =	vand.u32 $0xFF, v7;
	v7 =	vshrl.u32 v19, $0x18;
	v27 =	vor.u32 v6, v9  }
0xaa: {  	v9 =	vand.u32 $0xFF, v8;
	[tilespmem:v22+s11+$0x0] =	vst.idx.add.f32.msk $0xffff, v3;
	v22 =	vand.u32 $0xFF, v15;
	v8 =	vand.u32 $0xF8, v7  }
0xab: {  	v60 =	vor.u32 v26, v27;
	v26 =	vshrl.u32 v24, $0x8;
	v27 =	vshrl.u32 v24, $0x10  }
0xac: {  	v24 =	vand.u32 $0xFF, v24;
	[tilespmem:v28+s11+$0x0] =	vst.idx.add.f32.msk $0xffff, v3;
	v39 =	vor.u32 v1, v22;
	v28 =	vand.u32 $0xFF, v38  }
0xad: {  	v8 =	vor.u32 v6, v8;
	v24 =	vor.u32 v1, v24;
	v29 =	vand.u32 $0xFF, v27  }
0xae: {  	v27 =	vand.u32 $0xFF, v16;
	v26 =	vand.u32 $0xFF, v26;
	v16 =	vshrl.u32 v21, $0x18  }
0xaf: {  	v62 =	vor.u32 v5, v29;
	v29 =	vand.u32 $0xF8, v18;
	v37 =	vor.u32 v4, v26  }
0xb0: {  	v26 =	vor.u32 v5, v31;
	v31 =	vand.u32 $0xFF, v19;
	v19 =	vand.u32 $0xFF, v20  }
0xb1: {  	[tilespmem:v30+s11+$0x0] =	vst.idx.add.f32.msk $0xffff, v3;
	v20 =	vshrl.u32 v20, $0x8;
	v63 =	vor.u32 v1, v19;
	v19 =	vshrl.u32 v15, $0x8  }
0xb2: {  	v15 =	vshrl.u32 v15, $0x18;
	v20 =	vand.u32 $0xFF, v20;
	v19 =	vand.u32 $0xFF, v19;
	[tilespmem:v39+s11+$0x0] =	vst.idx.add.f32.msk $0xffff, v3  }
0xb3: {  	v22 =	vand.u32 $0xF8, v15;
	v34 =	vor.u32 v4, v20;
	v20 =	vor.u32 v4, v28;
	[tilespmem:v24+s11+$0x0] =	vst.idx.add.f32.msk $0xffff, v3  }
0xb4: {  	v15 =	vand.u32 $0x7, v15;
	v19 =	vor.u32 v4, v19;
	v30 =	vor.u32 v6, v22;
	[tilespmem:v37+s11+$0x0] =	vst.idx.add.f32.msk $0xffff, v3  }
0xb5: {  	v28 =	vand.u32 $0xF8, v25;
	v22 =	vor.u32 v1, v31;
	v31 =	vor.u32 v4, v36;
	[tilespmem:v62+s11+$0x0] =	vst.idx.add.f32.msk $0xffff, v3  }
0xb6: {  	v15 =	vor.u32 v15, v30;
	v30 =	vshrl.u32 v21, $0x8;
	v21 =	vand.u32 $0xFF, v21;
	[tilespmem:v63+s11+$0x0] =	vst.idx.add.f32.msk $0xffff, v3  }
0xb7: {  	s17 =	simm.s32 $0x0;
	v24 =	vand.u32 $0xFF, v61;
	v35 =	vor.u32 v1, v21;
	v32 =	vand.u32 $0xFF, v30;
	[tilespmem:v60+s11+$0x0] =	vst.idx.add.f32.msk $0xffff, v3  }
.LBB2_6:
0xb8: {  	s17 =	sadd.s32 $0x8, s17;
	[tilespmem:v17+s11+$0x0] =	vst.idx.add.f32.msk $0xffff, v3;
	v36 =	vor.u32 v4, v24;
	v17 =	vand.u32 $0xFF, v23;
	v23 =	vor.u32 v6, v28;
	s16 =	sadd.s32 $0x80, s16  }
0xb9: {  	v21 =	vand.u32 $0xF8, v16;
	v29 =	vor.u32 v6, v29;
	v24 =	vld [tilespmem:s16+$0xFFFFFFD0];
	p0 =	slt.u32 s17, $0x1F8;
	v37 =	vor.u32 v5, v17  }
0xba: {  	v38 =	vor.u32 v6, v21;
	v17 =	vld [tilespmem:s16+$0xFFFFFFC0]  }
0xbb: {  	v28 =	vld [tilespmem:s16+$0xFFFFFFE0]  }
0xbc: {  	v21 =	vld [tilespmem:s16+$0xFFFFFFF0]  }
0xbd: {  	v27 =	vor.u32 v1, v27;
	v25 =	vand.u32 $0x7, v25;
	v39 =	vld [tilespmem:s16+$0x0]  }
0xbe: {  	v23 =	vor.u32 v25, v23;
	v40 =	vshrl.u32 v24, $0x10;
	v41 =	vld [tilespmem:s16+$0x10]  }
0xbf: {  	v25 =	vshrl.u32 v17, $0x8;
	v42 =	vshrl.u32 v17, $0x10;
	v43 =	vand.u32 $0xFF, v17;
	v30 =	vld [tilespmem:s16+$0x20]  }
0xc0: {  	v17 =	vshrl.u32 v17, $0x18;
	v43 =	vor.u32 v1, v43;
	v25 =	vand.u32 $0xFF, v25;
	v44 =	vld [tilespmem:s16+$0x30]  }
0xc1: {  	v42 =	vand.u32 $0xFF, v42;
	v45 =	vand.u32 $0xF8, v17;
	v25 =	vor.u32 v4, v25;
	[tilespmem:v34+s11+$0x0] =	vst.idx.add.f32.msk $0xffff, v3  }
0xc2: {  	v17 =	vand.u32 $0x7, v17;
	v34 =	vor.u32 v5, v42;
	v42 =	vor.u32 v6, v45;
	[tilespmem:v26+s11+$0x0] =	vst.idx.add.f32.msk $0xffff, v3  }
0xc3: {  	v17 =	vor.u32 v17, v42;
	v26 =	vshrl.u32 v21, $0x10;
	v42 =	vshrl.u32 v41, $0x18;
	[tilespmem:v27+s11+$0x0] =	vst.idx.add.f32.msk $0xffff, v3  }
0xc4: {  	v26 =	vand.u32 $0xFF, v26;
	v27 =	vand.u32 $0xF8, v42;
	v45 =	vshrl.u32 v30, $0x10;
	[tilespmem:v35+s11+$0x0] =	vst.idx.add.f32.msk $0xffff, v3  }
0xc5: {  	v35 =	vshrl.u32 v39, $0x10;
	v27 =	vor.u32 v6, v27;
	v46 =	vshrl.u32 v44, $0x18;
	[tilespmem:v23+s11+$0x0] =	vst.idx.add.f32.msk $0xffff, v3  }
0xc6: {  	v23 =	vshrl.u32 v28, $0x10;
	v35 =	vand.u32 $0xFF, v35;
	[tilespmem:v43+s11+$0x0] =	vst.idx.add.f32.msk $0xffff, v3;
	v43 =	vand.u32 $0xF8, v46  }
0xc7: {  	[tilespmem:v25+s11+$0x0] =	vst.idx.add.f32.msk $0xffff, v3;
	v25 =	vand.u32 $0xFF, v23;
	v43 =	vor.u32 v6, v43;
	v23 =	vand.u32 $0x7, v10;
	v10 =	vmovc v42  }
0xc8: {  	[tilespmem:v34+s11+$0x0] =	vst.idx.add.f32.msk $0xffff, v3;
	v34 =	vand.u32 $0xFF, v40;
	v40 =	vshrl.u32 v28, $0x18;
	v23 =	vor.u32 v23, v11;
	v11 =	vmovc v27  }
0xc9: {  	v27 =	vand.u32 $0xF8, v40;
	[tilespmem:v33+s11+$0x0] =	vst.idx.add.f32.msk $0xffff, v3  }
0xca: {  	v33 =	vand.u32 $0x7, v7;
	v7 =	vmov v40;
	v27 =	vor.u32 v6, v27;
	[tilespmem:v36+s11+$0x0] =	vst.idx.add.f32.msk $0xffff, v3  }
0xcb: {  	v33 =	vor.u32 v33, v8;
	[tilespmem:v31+s11+$0x0] =	vst.idx.add.f32.msk $0xffff, v3;
	v8 =	vmov v27  }
0xcc: {  	v31 =	vor.u32 v5, v9;
	v27 =	vor.u32 v4, v32;
	v9 =	vmov v34;
	[tilespmem:v37+s11+$0x0] =	vst.idx.add.f32.msk $0xffff, v3  }
0xcd: {  	v18 =	vand.u32 $0x7, v18;
	v32 =	vor.u32 v5, v14;
	v34 =	vor.u32 v5, v12;
	[tilespmem:v23+s11+$0x0] =	vst.idx.add.f32.msk $0xffff, v3  }
0xce: {  	v14 =	vand.u32 $0x7, v16;
	v16 =	vor.u32 v5, v13;
	[tilespmem:v22+s11+$0x0] =	vst.idx.add.f32.msk $0xffff, v3;
	v22 =	vor.u32 v18, v29  }
0xcf: {  	v12 =	vmovc v26;
	v23 =	vshrl.u32 v41, $0x10;
	v18 =	vand.u32 $0x7, v46;
	[tilespmem:v19+s11+$0x0] =	vst.idx.add.f32.msk $0xffff, v3;
	v19 =	vor.u32 v14, v38  }
0xd0: {  	v36 =	vand.u32 $0xFF, v39;
	v26 =	vand.u32 $0xFF, v45;
	v13 =	vmovc v35;
	v37 =	vor.u32 v18, v43;
	[tilespmem:v20+s11+$0x0] =	vst.idx.add.f32.msk $0xffff, v3  }
0xd1: {  	v29 =	vand.u32 $0xFF, v44;
	v18 =	vshrl.u32 v44, $0x10;
	v14 =	vmovc v25;
	v20 =	vshrl.u32 v44, $0x8;
	[tilespmem:v27+s11+$0x0] =	vst.idx.add.f32.msk $0xffff, v3  }
0xd2: {  	v25 =	vshrl.u32 v30, $0x18;
	v35 =	vor.u32 v1, v29;
	v18 =	vand.u32 $0xFF, v18;
	[tilespmem:v34+s11+$0x0] =	vst.idx.add.f32.msk $0xffff, v3  }
0xd3: {  	v27 =	vand.u32 $0xFF, v41;
	v38 =	vor.u32 v5, v18;
	v34 =	vshrl.u32 v41, $0x8;
	[tilespmem:v16+s11+$0x0] =	vst.idx.add.f32.msk $0xffff, v3  }
0xd4: {  	v40 =	vshrl.u32 v39, $0x8;
	v18 =	vshrl.u32 v39, $0x18;
	v20 =	vand.u32 $0xFF, v20;
	[tilespmem:v22+s11+$0x0] =	vst.idx.add.f32.msk $0xffff, v3  }
0xd5: {  	v29 =	vand.u32 $0xF8, v18;
	v20 =	vor.u32 v4, v20;
	v16 =	vshrl.u32 v21, $0x18;
	[tilespmem:v19+s11+$0x0] =	vst.idx.add.f32.msk $0xffff, v3  }
0xd6: {  	v26 =	vor.u32 v5, v26;
	v39 =	vand.u32 $0xFF, v40;
	v19 =	vshrl.u32 v28, $0x8;
	[tilespmem:v32+s11+$0x0] =	vst.idx.add.f32.msk $0xffff, v3  }
0xd7: {  	v22 =	vand.u32 $0xFF, v24;
	v28 =	vand.u32 $0xFF, v28;
	v32 =	vand.u32 $0xFF, v30;
	[tilespmem:v31+s11+$0x0] =	vst.idx.add.f32.msk $0xffff, v3  }
0xd8: {  	v40 =	vor.u32 v1, v22;
	v31 =	vand.u32 $0xFF, v19;
	v32 =	vor.u32 v1, v32;
	[tilespmem:v15+s11+$0x0] =	vst.idx.add.f32.msk $0xffff, v3  }
0xd9: {  	v22 =	vshrl.u32 v24, $0x18;
	v19 =	vshrl.u32 v30, $0x8;
	v15 =	vshrl.u32 v24, $0x8;
	[tilespmem:v35+s11+$0x0] =	vst.idx.add.f32.msk $0xffff, v3  }
0xda: {  	v24 =	vand.u32 $0xF8, v22;
	v30 =	vand.u32 $0xFF, v19;
	v15 =	vand.u32 $0xFF, v15;
	[tilespmem:v20+s11+$0x0] =	vst.idx.add.f32.msk $0xffff, v3  }
.Ltmp2:
0xdb: {  	v19 =	vor.u32 v4, v15;
	v15 =	vor.u32 v6, v24;
	v24 =	vand.u32 $0xFF, v34;
	[tilespmem:v33+s11+$0x0] =	vst.idx.add.f32.msk $0xffff, v3;
	(pc) =	sbr.rel @p0 .LBB2_6-.Ltmp2, $4  }
0xdc: {  	v20 =	vand.u32 $0x7, v22;
	v22 =	vor.u32 v1, v28;
	v34 =	vor.u32 v4, v30;
	[tilespmem:v38+s11+$0x0] =	vst.idx.add.f32.msk $0xffff, v3  }
0xdd: {  	v28 =	vand.u32 $0xF8, v25;
	v15 =	vor.u32 v20, v15;
	v20 =	vor.u32 v4, v31;
	[tilespmem:v37+s11+$0x0] =	vst.idx.add.f32.msk $0xffff, v3  }
0xde: {  	v30 =	vshrl.u32 v21, $0x8;
	v21 =	vand.u32 $0xFF, v21;
	v31 =	vor.u32 v4, v39;
	[tilespmem:v32+s11+$0x0] =	vst.idx.add.f32.msk $0xffff, v3  }
0xdf: {  	v35 =	vor.u32 v1, v21;
	v33 =	vor.u32 v1, v36;
	v32 =	vand.u32 $0xFF, v30;
	[tilespmem:v40+s11+$0x0] =	vst.idx.add.f32.msk $0xffff, v3  }
0xe0: {  	_ =	sdelay $0x3  }
0xe1: {  	[tilespmem:v17+s11+$0x0] =	vst.idx.add.f32.msk $0xffff, v3  }
0xe2: {  	[tilespmem:v34+s11+$0x0] =	vst.idx.add.f32.msk $0xffff, v3  }
0xe3: {  	[tilespmem:v35+s11+$0x0] =	vst.idx.add.f32.msk $0xffff, v3  }
0xe4: {  	[tilespmem:v33+s11+$0x0] =	vst.idx.add.f32.msk $0xffff, v3  }
0xe5: {  	v21 =	vor.u32 v1, v27;
	[tilespmem:v22+s11+$0x0] =	vst.idx.add.f32.msk $0xffff, v3  }
0xe6: {  	v13 =	vor.u32 v5, v13;
	[tilespmem:v19+s11+$0x0] =	vst.idx.add.f32.msk $0xffff, v3  }
0xe7: {  	v14 =	vor.u32 v5, v14;
	[tilespmem:v26+s11+$0x0] =	vst.idx.add.f32.msk $0xffff, v3  }
0xe8: {  	v27 =	vor.u32 v6, v28;
	v25 =	vand.u32 $0x7, v25;
	v9 =	vor.u32 v5, v9;
	[tilespmem:v31+s11+$0x0] =	vst.idx.add.f32.msk $0xffff, v3  }
0xe9: {  	v17 =	vor.u32 v25, v27;
	[tilespmem:v20+s11+$0x0] =	vst.idx.add.f32.msk $0xffff, v3  }
0xea: {  	v24 =	vor.u32 v4, v24;
	v23 =	vand.u32 $0xFF, v23;
	[tilespmem:v21+s11+$0x0] =	vst.idx.add.f32.msk $0xffff, v3  }
0xeb: {  	v10 =	vand.u32 $0x7, v10;
	v21 =	vor.u32 v5, v23;
	[tilespmem:v13+s11+$0x0] =	vst.idx.add.f32.msk $0xffff, v3  }
0xec: {  	v10 =	vor.u32 v10, v11;
	[tilespmem:v14+s11+$0x0] =	vst.idx.add.f32.msk $0xffff, v3  }
0xed: {  	v11 =	vor.u32 v4, v32;
	[tilespmem:v9+s11+$0x0] =	vst.idx.add.f32.msk $0xffff, v3  }
0xee: {  	v7 =	vand.u32 $0x7, v7;
	[tilespmem:v17+s11+$0x0] =	vst.idx.add.f32.msk $0xffff, v3  }
0xef: {  	v7 =	vor.u32 v7, v8;
	[tilespmem:v24+s11+$0x0] =	vst.idx.add.f32.msk $0xffff, v3;
	v17 =	vand.u32 $0xF8, v16  }
0xf0: {  	v12 =	vor.u32 v5, v12;
	v16 =	vand.u32 $0x7, v16;
	v17 =	vor.u32 v6, v17;
	[tilespmem:v21+s11+$0x0] =	vst.idx.add.f32.msk $0xffff, v3  }
0xf1: {  	v18 =	vand.u32 $0x7, v18;
	v16 =	vor.u32 v16, v17;
	[tilespmem:v10+s11+$0x0] =	vst.idx.add.f32.msk $0xffff, v3;
	v10 =	vor.u32 v6, v29  }
0xf2: {  	[tilespmem:v11+s11+$0x0] =	vst.idx.add.f32.msk $0xffff, v3;
	v10 =	vor.u32 v18, v10  }
0xf3: {  	[tilespmem:v15+s11+$0x0] =	vst.idx.add.f32.msk $0xffff, v3  }
0xf4: {  	[tilespmem:v7+s11+$0x0] =	vst.idx.add.f32.msk $0xffff, v3  }
0xf5: {  	[tilespmem:v12+s11+$0x0] =	vst.idx.add.f32.msk $0xffff, v3  }
0xf6: {  	[tilespmem:v16+s11+$0x0] =	vst.idx.add.f32.msk $0xffff, v3  }
0xf7: {  	[tilespmem:v10+s11+$0x0] =	vst.idx.add.f32.msk $0xffff, v3  }
0xf8: {  	[tilespmem:s9], [sflag:$0x2] =	stream.linear.gather [hbm4b:s6+s2], $0x2000, $0x38;
	[tilespmem:$0x8100] =	vst v63  }
0xf9: {  	_ =	swait.ge [sflag:s10], $0x2000  }
0xfa: {  	[sflag:s10] =	ssyncset.done $0x0  }
0xfb: {  	s16 =	simm.s32 $0x40;
	[sflag:s10] =	ssyncadd.s32 $0xFFFFE000  }
0xfc: {  	v15 =	vld [tilespmem:s16+$0xFFFFFFD0]  }
0xfd: {  	v7 =	vld [tilespmem:s16+$0xFFFFFFC0]  }
0xfe: {  	v16 =	vld [tilespmem:s16+$0x10]  }
0xff: {  	v18 =	vld [tilespmem:s16+$0x0]  }
0x100: {  	v20 =	vld [tilespmem:s16+$0x20]  }
0x101: {  	v24 =	vld [tilespmem:s16+$0x30]  }
0x102: {  	v19 =	vld [tilespmem:s16+$0xFFFFFFE0]  }
0x103: {  	v21 =	vld [tilespmem:s16+$0xFFFFFFF0]  }
0x104: {  	v8 =	vshrl.u32 v15, $0x10;
	v9 =	vshrl.u32 v7, $0x8;
	v10 =	vshrl.u32 v7, $0x10  }
0x105: {  	v11 =	vand.u32 $0xFF, v7;
	v7 =	vshrl.u32 v7, $0x18;
	v25 =	vshrl.u32 v20, $0x10  }
0x106: {  	v26 =	vshrl.u32 v24, $0x18;
	v23 =	vshrl.u32 v16, $0x10;
	v59 =	vand.u32 $0xFF, v18  }
0x107: {  	v61 =	vshrl.u32 v16, $0x8;
	v36 =	vshrl.u32 v18, $0x8;
	v38 =	vshrl.u32 v19, $0x8  }
0x108: {  	v9 =	vand.u32 $0xFF, v9;
	v22 =	vor.u32 v1, v11;
	v11 =	vshrl.u32 v21, $0x10  }
0x109: {  	v31 =	vand.u32 $0xFF, v25;
	v25 =	vshrl.u32 v20, $0x18;
	v36 =	vand.u32 $0xFF, v36  }
0x10a: {  	v33 =	vor.u32 v1, v59;
	v28 =	vor.u32 v4, v9;
	v9 =	vand.u32 $0xFF, v10  }
0x10b: {  	v10 =	vand.u32 $0xF8, v7;
	v7 =	vand.u32 $0x7, v7;
	v12 =	vand.u32 $0xFF, v11  }
0x10c: {  	v30 =	vor.u32 v5, v9;
	v9 =	vor.u32 v6, v10;
	v10 =	vshrl.u32 v16, $0x18  }
0x10d: {  	v17 =	vor.u32 v7, v9;
	v7 =	vand.u32 $0xF8, v10;
	v9 =	vshrl.u32 v18, $0x10  }
0x10e: {  	v18 =	vshrl.u32 v18, $0x18;
	v11 =	vor.u32 v6, v7;
	v7 =	vshrl.u32 v19, $0x10  }
0x10f: {  	v13 =	vand.u32 $0xFF, v9;
	v9 =	vand.u32 $0xF8, v26;
	v26 =	vand.u32 $0x7, v26  }
0x110: {  	v14 =	vand.u32 $0xFF, v7;
	v7 =	vshrl.u32 v19, $0x18;
	v27 =	vor.u32 v6, v9  }
0x111: {  	v9 =	vand.u32 $0xFF, v8;
	[tilespmem:v22+s11+$0x0] =	vst.idx.add.f32.msk $0xffff, v3;
	v22 =	vand.u32 $0xFF, v15;
	v8 =	vand.u32 $0xF8, v7  }
0x112: {  	v60 =	vor.u32 v26, v27;
	v26 =	vshrl.u32 v24, $0x8;
	v27 =	vshrl.u32 v24, $0x10  }
0x113: {  	v24 =	vand.u32 $0xFF, v24;
	[tilespmem:v28+s11+$0x0] =	vst.idx.add.f32.msk $0xffff, v3;
	v39 =	vor.u32 v1, v22;
	v28 =	vand.u32 $0xFF, v38  }
0x114: {  	v8 =	vor.u32 v6, v8;
	v24 =	vor.u32 v1, v24;
	v29 =	vand.u32 $0xFF, v27  }
0x115: {  	v27 =	vand.u32 $0xFF, v16;
	v26 =	vand.u32 $0xFF, v26;
	v16 =	vshrl.u32 v21, $0x18  }
0x116: {  	v62 =	vor.u32 v5, v29;
	v29 =	vand.u32 $0xF8, v18;
	v37 =	vor.u32 v4, v26  }
0x117: {  	v26 =	vor.u32 v5, v31;
	v31 =	vand.u32 $0xFF, v19;
	v19 =	vand.u32 $0xFF, v20  }
0x118: {  	[tilespmem:v30+s11+$0x0] =	vst.idx.add.f32.msk $0xffff, v3;
	v20 =	vshrl.u32 v20, $0x8;
	v63 =	vor.u32 v1, v19;
	v19 =	vshrl.u32 v15, $0x8  }
0x119: {  	v15 =	vshrl.u32 v15, $0x18;
	v20 =	vand.u32 $0xFF, v20;
	v19 =	vand.u32 $0xFF, v19;
	[tilespmem:v39+s11+$0x0] =	vst.idx.add.f32.msk $0xffff, v3  }
0x11a: {  	v22 =	vand.u32 $0xF8, v15;
	v34 =	vor.u32 v4, v20;
	v20 =	vor.u32 v4, v28;
	[tilespmem:v24+s11+$0x0] =	vst.idx.add.f32.msk $0xffff, v3  }
0x11b: {  	v15 =	vand.u32 $0x7, v15;
	v19 =	vor.u32 v4, v19;
	v30 =	vor.u32 v6, v22;
	[tilespmem:v37+s11+$0x0] =	vst.idx.add.f32.msk $0xffff, v3  }
0x11c: {  	v28 =	vand.u32 $0xF8, v25;
	v22 =	vor.u32 v1, v31;
	v31 =	vor.u32 v4, v36;
	[tilespmem:v62+s11+$0x0] =	vst.idx.add.f32.msk $0xffff, v3  }
0x11d: {  	v15 =	vor.u32 v15, v30;
	v30 =	vshrl.u32 v21, $0x8;
	v21 =	vand.u32 $0xFF, v21;
	[tilespmem:v63+s11+$0x0] =	vst.idx.add.f32.msk $0xffff, v3  }
0x11e: {  	s17 =	simm.s32 $0x0;
	v24 =	vand.u32 $0xFF, v61;
	v35 =	vor.u32 v1, v21;
	v32 =	vand.u32 $0xFF, v30;
	[tilespmem:v60+s11+$0x0] =	vst.idx.add.f32.msk $0xffff, v3  }
.LBB2_8:
0x11f: {  	s17 =	sadd.s32 $0x8, s17;
	[tilespmem:v17+s11+$0x0] =	vst.idx.add.f32.msk $0xffff, v3;
	v36 =	vor.u32 v4, v24;
	v17 =	vand.u32 $0xFF, v23;
	v23 =	vor.u32 v6, v28;
	s16 =	sadd.s32 $0x80, s16  }
0x120: {  	v21 =	vand.u32 $0xF8, v16;
	v29 =	vor.u32 v6, v29;
	v24 =	vld [tilespmem:s16+$0xFFFFFFD0];
	p0 =	slt.u32 s17, $0x1F8;
	v37 =	vor.u32 v5, v17  }
0x121: {  	v38 =	vor.u32 v6, v21;
	v17 =	vld [tilespmem:s16+$0xFFFFFFC0]  }
0x122: {  	v28 =	vld [tilespmem:s16+$0xFFFFFFE0]  }
0x123: {  	v21 =	vld [tilespmem:s16+$0xFFFFFFF0]  }
0x124: {  	v27 =	vor.u32 v1, v27;
	v25 =	vand.u32 $0x7, v25;
	v39 =	vld [tilespmem:s16+$0x0]  }
0x125: {  	v23 =	vor.u32 v25, v23;
	v40 =	vshrl.u32 v24, $0x10;
	v41 =	vld [tilespmem:s16+$0x10]  }
0x126: {  	v25 =	vshrl.u32 v17, $0x8;
	v42 =	vshrl.u32 v17, $0x10;
	v43 =	vand.u32 $0xFF, v17;
	v30 =	vld [tilespmem:s16+$0x20]  }
0x127: {  	v17 =	vshrl.u32 v17, $0x18;
	v43 =	vor.u32 v1, v43;
	v25 =	vand.u32 $0xFF, v25;
	v44 =	vld [tilespmem:s16+$0x30]  }
0x128: {  	v42 =	vand.u32 $0xFF, v42;
	v45 =	vand.u32 $0xF8, v17;
	v25 =	vor.u32 v4, v25;
	[tilespmem:v34+s11+$0x0] =	vst.idx.add.f32.msk $0xffff, v3  }
0x129: {  	v17 =	vand.u32 $0x7, v17;
	v34 =	vor.u32 v5, v42;
	v42 =	vor.u32 v6, v45;
	[tilespmem:v26+s11+$0x0] =	vst.idx.add.f32.msk $0xffff, v3  }
0x12a: {  	v17 =	vor.u32 v17, v42;
	v26 =	vshrl.u32 v21, $0x10;
	v42 =	vshrl.u32 v41, $0x18;
	[tilespmem:v27+s11+$0x0] =	vst.idx.add.f32.msk $0xffff, v3  }
0x12b: {  	v26 =	vand.u32 $0xFF, v26;
	v27 =	vand.u32 $0xF8, v42;
	v45 =	vshrl.u32 v30, $0x10;
	[tilespmem:v35+s11+$0x0] =	vst.idx.add.f32.msk $0xffff, v3  }
0x12c: {  	v35 =	vshrl.u32 v39, $0x10;
	v27 =	vor.u32 v6, v27;
	v46 =	vshrl.u32 v44, $0x18;
	[tilespmem:v23+s11+$0x0] =	vst.idx.add.f32.msk $0xffff, v3  }
0x12d: {  	v23 =	vshrl.u32 v28, $0x10;
	v35 =	vand.u32 $0xFF, v35;
	[tilespmem:v43+s11+$0x0] =	vst.idx.add.f32.msk $0xffff, v3;
	v43 =	vand.u32 $0xF8, v46  }
0x12e: {  	[tilespmem:v25+s11+$0x0] =	vst.idx.add.f32.msk $0xffff, v3;
	v25 =	vand.u32 $0xFF, v23;
	v43 =	vor.u32 v6, v43;
	v23 =	vand.u32 $0x7, v10;
	v10 =	vmovc v42  }
0x12f: {  	[tilespmem:v34+s11+$0x0] =	vst.idx.add.f32.msk $0xffff, v3;
	v34 =	vand.u32 $0xFF, v40;
	v40 =	vshrl.u32 v28, $0x18;
	v23 =	vor.u32 v23, v11;
	v11 =	vmovc v27  }
0x130: {  	v27 =	vand.u32 $0xF8, v40;
	[tilespmem:v33+s11+$0x0] =	vst.idx.add.f32.msk $0xffff, v3  }
0x131: {  	v33 =	vand.u32 $0x7, v7;
	v7 =	vmov v40;
	v27 =	vor.u32 v6, v27;
	[tilespmem:v36+s11+$0x0] =	vst.idx.add.f32.msk $0xffff, v3  }
0x132: {  	v33 =	vor.u32 v33, v8;
	[tilespmem:v31+s11+$0x0] =	vst.idx.add.f32.msk $0xffff, v3;
	v8 =	vmov v27  }
0x133: {  	v31 =	vor.u32 v5, v9;
	v27 =	vor.u32 v4, v32;
	v9 =	vmov v34;
	[tilespmem:v37+s11+$0x0] =	vst.idx.add.f32.msk $0xffff, v3  }
0x134: {  	v18 =	vand.u32 $0x7, v18;
	v32 =	vor.u32 v5, v14;
	v34 =	vor.u32 v5, v12;
	[tilespmem:v23+s11+$0x0] =	vst.idx.add.f32.msk $0xffff, v3  }
0x135: {  	v14 =	vand.u32 $0x7, v16;
	v16 =	vor.u32 v5, v13;
	[tilespmem:v22+s11+$0x0] =	vst.idx.add.f32.msk $0xffff, v3;
	v22 =	vor.u32 v18, v29  }
0x136: {  	v12 =	vmovc v26;
	v23 =	vshrl.u32 v41, $0x10;
	v18 =	vand.u32 $0x7, v46;
	[tilespmem:v19+s11+$0x0] =	vst.idx.add.f32.msk $0xffff, v3;
	v19 =	vor.u32 v14, v38  }
0x137: {  	v36 =	vand.u32 $0xFF, v39;
	v26 =	vand.u32 $0xFF, v45;
	v13 =	vmovc v35;
	v37 =	vor.u32 v18, v43;
	[tilespmem:v20+s11+$0x0] =	vst.idx.add.f32.msk $0xffff, v3  }
0x138: {  	v29 =	vand.u32 $0xFF, v44;
	v18 =	vshrl.u32 v44, $0x10;
	v14 =	vmovc v25;
	v20 =	vshrl.u32 v44, $0x8;
	[tilespmem:v27+s11+$0x0] =	vst.idx.add.f32.msk $0xffff, v3  }
0x139: {  	v25 =	vshrl.u32 v30, $0x18;
	v35 =	vor.u32 v1, v29;
	v18 =	vand.u32 $0xFF, v18;
	[tilespmem:v34+s11+$0x0] =	vst.idx.add.f32.msk $0xffff, v3  }
0x13a: {  	v27 =	vand.u32 $0xFF, v41;
	v38 =	vor.u32 v5, v18;
	v34 =	vshrl.u32 v41, $0x8;
	[tilespmem:v16+s11+$0x0] =	vst.idx.add.f32.msk $0xffff, v3  }
0x13b: {  	v40 =	vshrl.u32 v39, $0x8;
	v18 =	vshrl.u32 v39, $0x18;
	v20 =	vand.u32 $0xFF, v20;
	[tilespmem:v22+s11+$0x0] =	vst.idx.add.f32.msk $0xffff, v3  }
0x13c: {  	v29 =	vand.u32 $0xF8, v18;
	v20 =	vor.u32 v4, v20;
	v16 =	vshrl.u32 v21, $0x18;
	[tilespmem:v19+s11+$0x0] =	vst.idx.add.f32.msk $0xffff, v3  }
0x13d: {  	v26 =	vor.u32 v5, v26;
	v39 =	vand.u32 $0xFF, v40;
	v19 =	vshrl.u32 v28, $0x8;
	[tilespmem:v32+s11+$0x0] =	vst.idx.add.f32.msk $0xffff, v3  }
0x13e: {  	v22 =	vand.u32 $0xFF, v24;
	v28 =	vand.u32 $0xFF, v28;
	v32 =	vand.u32 $0xFF, v30;
	[tilespmem:v31+s11+$0x0] =	vst.idx.add.f32.msk $0xffff, v3  }
0x13f: {  	v40 =	vor.u32 v1, v22;
	v31 =	vand.u32 $0xFF, v19;
	v32 =	vor.u32 v1, v32;
	[tilespmem:v15+s11+$0x0] =	vst.idx.add.f32.msk $0xffff, v3  }
0x140: {  	v22 =	vshrl.u32 v24, $0x18;
	v19 =	vshrl.u32 v30, $0x8;
	v15 =	vshrl.u32 v24, $0x8;
	[tilespmem:v35+s11+$0x0] =	vst.idx.add.f32.msk $0xffff, v3  }
0x141: {  	v24 =	vand.u32 $0xF8, v22;
	v30 =	vand.u32 $0xFF, v19;
	v15 =	vand.u32 $0xFF, v15;
	[tilespmem:v20+s11+$0x0] =	vst.idx.add.f32.msk $0xffff, v3  }
.Ltmp3:
0x142: {  	v19 =	vor.u32 v4, v15;
	v15 =	vor.u32 v6, v24;
	v24 =	vand.u32 $0xFF, v34;
	[tilespmem:v33+s11+$0x0] =	vst.idx.add.f32.msk $0xffff, v3;
	(pc) =	sbr.rel @p0 .LBB2_8-.Ltmp3, $4  }
0x143: {  	v20 =	vand.u32 $0x7, v22;
	v22 =	vor.u32 v1, v28;
	v34 =	vor.u32 v4, v30;
	[tilespmem:v38+s11+$0x0] =	vst.idx.add.f32.msk $0xffff, v3  }
0x144: {  	v28 =	vand.u32 $0xF8, v25;
	v15 =	vor.u32 v20, v15;
	v20 =	vor.u32 v4, v31;
	[tilespmem:v37+s11+$0x0] =	vst.idx.add.f32.msk $0xffff, v3  }
0x145: {  	v30 =	vshrl.u32 v21, $0x8;
	v21 =	vand.u32 $0xFF, v21;
	v31 =	vor.u32 v4, v39;
	[tilespmem:v32+s11+$0x0] =	vst.idx.add.f32.msk $0xffff, v3  }
0x146: {  	v35 =	vor.u32 v1, v21;
	v33 =	vor.u32 v1, v36;
	v32 =	vand.u32 $0xFF, v30;
	[tilespmem:v40+s11+$0x0] =	vst.idx.add.f32.msk $0xffff, v3  }
0x147: {  	_ =	sdelay $0x3  }
0x148: {  	[tilespmem:v17+s11+$0x0] =	vst.idx.add.f32.msk $0xffff, v3  }
0x149: {  	[tilespmem:v34+s11+$0x0] =	vst.idx.add.f32.msk $0xffff, v3  }
0x14a: {  	[tilespmem:v35+s11+$0x0] =	vst.idx.add.f32.msk $0xffff, v3  }
0x14b: {  	[tilespmem:v33+s11+$0x0] =	vst.idx.add.f32.msk $0xffff, v3  }
0x14c: {  	v21 =	vor.u32 v1, v27;
	[tilespmem:v22+s11+$0x0] =	vst.idx.add.f32.msk $0xffff, v3  }
0x14d: {  	v13 =	vor.u32 v5, v13;
	[tilespmem:v19+s11+$0x0] =	vst.idx.add.f32.msk $0xffff, v3  }
0x14e: {  	v14 =	vor.u32 v5, v14;
	[tilespmem:v26+s11+$0x0] =	vst.idx.add.f32.msk $0xffff, v3  }
0x14f: {  	v27 =	vor.u32 v6, v28;
	v25 =	vand.u32 $0x7, v25;
	v9 =	vor.u32 v5, v9;
	[tilespmem:v31+s11+$0x0] =	vst.idx.add.f32.msk $0xffff, v3  }
0x150: {  	v17 =	vor.u32 v25, v27;
	[tilespmem:v20+s11+$0x0] =	vst.idx.add.f32.msk $0xffff, v3  }
0x151: {  	v24 =	vor.u32 v4, v24;
	v23 =	vand.u32 $0xFF, v23;
	[tilespmem:v21+s11+$0x0] =	vst.idx.add.f32.msk $0xffff, v3  }
0x152: {  	v10 =	vand.u32 $0x7, v10;
	v21 =	vor.u32 v5, v23;
	[tilespmem:v13+s11+$0x0] =	vst.idx.add.f32.msk $0xffff, v3  }
0x153: {  	v10 =	vor.u32 v10, v11;
	[tilespmem:v14+s11+$0x0] =	vst.idx.add.f32.msk $0xffff, v3  }
0x154: {  	v11 =	vor.u32 v4, v32;
	[tilespmem:v9+s11+$0x0] =	vst.idx.add.f32.msk $0xffff, v3  }
0x155: {  	v7 =	vand.u32 $0x7, v7;
	[tilespmem:v17+s11+$0x0] =	vst.idx.add.f32.msk $0xffff, v3  }
0x156: {  	v7 =	vor.u32 v7, v8;
	[tilespmem:v24+s11+$0x0] =	vst.idx.add.f32.msk $0xffff, v3;
	v17 =	vand.u32 $0xF8, v16  }
0x157: {  	v12 =	vor.u32 v5, v12;
	v16 =	vand.u32 $0x7, v16;
	v17 =	vor.u32 v6, v17;
	[tilespmem:v21+s11+$0x0] =	vst.idx.add.f32.msk $0xffff, v3  }
0x158: {  	v18 =	vand.u32 $0x7, v18;
	v16 =	vor.u32 v16, v17;
	[tilespmem:v10+s11+$0x0] =	vst.idx.add.f32.msk $0xffff, v3;
	v10 =	vor.u32 v6, v29  }
0x159: {  	[tilespmem:v11+s11+$0x0] =	vst.idx.add.f32.msk $0xffff, v3;
	v10 =	vor.u32 v18, v10  }
0x15a: {  	[tilespmem:v15+s11+$0x0] =	vst.idx.add.f32.msk $0xffff, v3  }
0x15b: {  	[tilespmem:v7+s11+$0x0] =	vst.idx.add.f32.msk $0xffff, v3  }
0x15c: {  	[tilespmem:v12+s11+$0x0] =	vst.idx.add.f32.msk $0xffff, v3  }
0x15d: {  	[tilespmem:v16+s11+$0x0] =	vst.idx.add.f32.msk $0xffff, v3  }
0x15e: {  	[tilespmem:v10+s11+$0x0] =	vst.idx.add.f32.msk $0xffff, v3  }
0x15f: {  	_ =	swait.ge [sflag:s12], $0x2000  }
0x160: {  	[sflag:s12] =	ssyncset.done $0x0  }
0x161: {  	s16 =	simm.s32 $0x2040;
	[sflag:s12] =	ssyncadd.s32 $0xFFFFE000  }
0x162: {  	v7 =	vld [tilespmem:s16+$0xFFFFFFC0]  }
0x163: {  	v13 =	vld [tilespmem:s16+$0xFFFFFFD0]  }
0x164: {  	v14 =	vld [tilespmem:s16+$0x10]  }
0x165: {  	v17 =	vld [tilespmem:s16+$0x20];
	_ =	sdelay $0x1  }
0x166: {  	v60 =	vld [tilespmem:s16+$0xFFFFFFF0]  }
0x167: {  	v18 =	vld [tilespmem:s16+$0x0];
	v8 =	vshrl.u32 v7, $0x8;
	v9 =	vshrl.u32 v7, $0x10;
	v10 =	vand.u32 $0xFF, v7  }
0x168: {  	v15 =	vshrl.u32 v7, $0x18;
	v7 =	vshrl.u32 v13, $0x10;
	v20 =	vshrl.u32 v14, $0x10  }
0x169: {  	v23 =	vshrl.u32 v17, $0x10;
	v25 =	vshrl.u32 v17, $0x18;
	v27 =	vshrl.u32 v17, $0x8  }
0x16a: {  	v29 =	vand.u32 $0xFF, v17;
	v31 =	vshrl.u32 v14, $0x8;
	v61 =	vand.u32 $0xFF, v14  }
0x16b: {  	v11 =	vld [tilespmem:s16+$0x30];
	v37 =	vand.u32 $0xFF, v13;
	v33 =	vshrl.u32 v60, $0x8;
	v19 =	vor.u32 v1, v10  }
0x16c: {  	v8 =	vand.u32 $0xFF, v8;
	v9 =	vand.u32 $0xFF, v9;
	v10 =	vshrl.u32 v18, $0x10  }
0x16d: {  	v23 =	vand.u32 $0xFF, v23;
	v39 =	vor.u32 v1, v29;
	v29 =	vor.u32 v1, v61  }
0x16e: {  	v34 =	vand.u32 $0xFF, v31;
	v22 =	vor.u32 v4, v8;
	v24 =	vor.u32 v5, v9  }
0x16f: {  	v9 =	vand.u32 $0xF8, v15;
	v8 =	vand.u32 $0xFF, v7;
	v7 =	vand.u32 $0xFF, v10  }
0x170: {  	v10 =	vshrl.u32 v11, $0x18;
	v15 =	vand.u32 $0x7, v15;
	v36 =	vor.u32 v5, v23  }
0x171: {  	v23 =	vshrl.u32 v11, $0x10;
	v16 =	vor.u32 v6, v9;
	v9 =	vshrl.u32 v14, $0x18  }
0x172: {  	v12 =	vand.u32 $0xF8, v10;
	v10 =	vand.u32 $0x7, v10;
	v14 =	vshrl.u32 v18, $0x8  }
0x173: {  	v28 =	vld [tilespmem:s16+$0xFFFFFFE0];
	v21 =	vand.u32 $0xF8, v9;
	v12 =	vor.u32 v6, v12;
	v26 =	vor.u32 v15, v16  }
0x174: {  	v12 =	vor.u32 v10, v12;
	v10 =	vor.u32 v6, v21;
	v21 =	vand.u32 $0xF8, v25  }
0x175: {  	v15 =	vshrl.u32 v60, $0x10;
	v25 =	vand.u32 $0x7, v25;
	v21 =	vor.u32 v6, v21  }
0x176: {  	v16 =	vand.u32 $0xFF, v20;
	v14 =	vand.u32 $0xFF, v14;
	v20 =	vor.u32 v25, v21  }
0x177: {  	v21 =	vshrl.u32 v11, $0x8;
	v25 =	vand.u32 $0xFF, v11;
	v11 =	vand.u32 $0xFF, v23  }
0x178: {  	[tilespmem:v19+s11+$0x0] =	vst.idx.add.f32.msk $0xffff, v3;
	v19 =	vand.u32 $0xFF, v28;
	v23 =	vor.u32 v5, v11;
	v11 =	vshrl.u32 v18, $0x18  }
0x179: {  	v30 =	vand.u32 $0xFF, v21;
	v21 =	vshrl.u32 v60, $0x18;
	v63 =	vor.u32 v1, v25  }
0x17a: {  	[tilespmem:v22+s11+$0x0] =	vst.idx.add.f32.msk $0xffff, v3;
	v25 =	vand.u32 $0xFF, v27;
	v27 =	vshrl.u32 v13, $0x18;
	v62 =	vor.u32 v4, v30  }
0x17b: {  	[tilespmem:v24+s11+$0x0] =	vst.idx.add.f32.msk $0xffff, v3;
	v13 =	vshrl.u32 v13, $0x8;
	v18 =	vand.u32 $0xFF, v18;
	v24 =	vor.u32 v4, v25  }
0x17c: {  	[tilespmem:v39+s11+$0x0] =	vst.idx.add.f32.msk $0xffff, v3;
	v17 =	vand.u32 $0xF8, v11;
	v30 =	vshrl.u32 v28, $0x8;
	v22 =	vand.u32 $0xF8, v27  }
0x17d: {  	[tilespmem:v26+s11+$0x0] =	vst.idx.add.f32.msk $0xffff, v3;
	v13 =	vand.u32 $0xFF, v13;
	v25 =	vand.u32 $0x7, v27;
	v27 =	vor.u32 v1, v19  }
0x17e: {  	v19 =	vshrl.u32 v28, $0x18;
	v32 =	vand.u32 $0xF8, v21;
	v31 =	vor.u32 v1, v18;
	[tilespmem:v63+s11+$0x0] =	vst.idx.add.f32.msk $0xffff, v3  }
0x17f: {  	v38 =	vand.u32 $0xFF, v30;
	v22 =	vor.u32 v6, v22;
	v13 =	vor.u32 v4, v13;
	[tilespmem:v62+s11+$0x0] =	vst.idx.add.f32.msk $0xffff, v3  }
0x180: {  	v30 =	vshrl.u32 v28, $0x10;
	v28 =	vor.u32 v1, v37;
	v26 =	vand.u32 $0xF8, v19;
	[tilespmem:v24+s11+$0x0] =	vst.idx.add.f32.msk $0xffff, v3  }
0x181: {  	s17 =	simm.s32 $0x0;
	s18 =	simm.s32 $0x20C0;
	v18 =	vand.u32 $0xFF, v60;
	v26 =	vor.u32 v6, v26;
	v24 =	vor.u32 v4, v38;
	[tilespmem:v36+s11+$0x0] =	vst.idx.add.f32.msk $0xffff, v3  }
.LBB2_10:
0x182: {  	s17 =	sadd.s32 $0x8, s17;
	v25 =	vor.u32 v25, v22;
	v22 =	vand.u32 $0xFF, v33;
	v33 =	vor.u32 v4, v34;
	[tilespmem:v20+s11+$0x0] =	vst.idx.add.f32.msk $0xffff, v3;
	s16 =	simm.s32 $0x30  }
0x183: {  	v19 =	vand.u32 $0x7, v19;
	v34 =	vor.u32 v1, v18;
	v20 =	vld [tilespmem:s18+$0xFFFFFFC0];
	p0 =	slt.u32 s17, $0x1F8;
	v35 =	vor.u32 v4, v22  }
0x184: {  	v15 =	vand.u32 $0xFF, v15;
	v16 =	vor.u32 v5, v16;
	v26 =	vor.u32 v19, v26;
	[tilespmem:v23+s11+$0x0] =	vst.idx.add.f32.msk $0xffff, v3  }
0x185: {  	v18 =	vand.u32 $0x7, v21;
	v21 =	vor.u32 v6, v32;
	v15 =	vor.u32 v5, v15;
	v22 =	vld [tilespmem:s18+$0xFFFFFFD0]  }
0x186: {  	v17 =	vor.u32 v6, v17;
	v21 =	vor.u32 v18, v21;
	v23 =	vand.u32 $0xFF, v30;
	v19 =	vld [tilespmem:s18+$0xFFFFFFE0]  }
0x187: {  	[tilespmem:v12+s11+$0x0] =	vst.idx.add.f32.msk $0xffff, v3  }
0x188: {  	v12 =	vshrl.u32 v20, $0x8;
	v30 =	vshrl.u32 v20, $0x10;
	v32 =	vand.u32 $0xFF, v20;
	v18 =	vld [tilespmem:s18+$0xFFFFFFF0]  }
0x189: {  	v32 =	vor.u32 v1, v32;
	v12 =	vand.u32 $0xFF, v12;
	v30 =	vand.u32 $0xFF, v30;
	v36 =	vld [tilespmem:s18+$0x0]  }
0x18a: {  	v20 =	vshrl.u32 v20, $0x18;
	v12 =	vor.u32 v4, v12;
	v37 =	vshrl.u32 v22, $0x10;
	v38 =	vld [tilespmem:s18+$0x30]  }
0x18b: {  	v39 =	vand.u32 $0xF8, v20;
	v30 =	vor.u32 v5, v30;
	v37 =	vand.u32 $0xFF, v37;
	v40 =	vld [tilespmem:s18+$0x10]  }
0x18c: {  	v39 =	vor.u32 v6, v39;
	[tilespmem:v31+s11+$0x0] =	vst.idx.add.f32.msk $0xffff, v3  }
0x18d: {  	v31 =	vld [tilespmem:s18+$0x20]  }
0x18e: {  	v41 =	vshrl.u32 v36, $0x10;
	[tilespmem:v29+s11+$0x0] =	vst.idx.add.f32.msk $0xffff, v3  }
0x18f: {  	v29 =	vand.u32 $0xFF, v41;
	v41 =	vshrl.u32 v38, $0x18;
	[tilespmem:v33+s11+$0x0] =	vst.idx.add.f32.msk $0xffff, v3  }
0x190: {  	[tilespmem:v32+s11+$0x0] =	vst.idx.add.f32.msk $0xffff, v3;
	v32 =	vshrl.u32 v40, $0x10;
	v33 =	vshrl.u32 v40, $0x18;
	v42 =	vand.u32 $0xF8, v41  }
0x191: {  	[tilespmem:v12+s11+$0x0] =	vst.idx.add.f32.msk $0xffff, v3;
	v43 =	vand.u32 $0xF8, v33;
	v12 =	vand.u32 $0x7, v41;
	v41 =	vor.u32 v6, v42  }
0x192: {  	v42 =	vshrl.u32 v31, $0x10;
	v44 =	vshrl.u32 v31, $0x18;
	v12 =	vor.u32 v12, v41;
	[tilespmem:v27+s11+$0x0] =	vst.idx.add.f32.msk $0xffff, v3  }
0x193: {  	v27 =	vor.u32 v6, v43;
	v41 =	vand.u32 $0xFF, v42;
	v42 =	vand.u32 $0xF8, v44;
	[tilespmem:v34+s11+$0x0] =	vst.idx.add.f32.msk $0xffff, v3  }
0x194: {  	v14 =	vor.u32 v4, v14;
	v34 =	vor.u32 v6, v42;
	[tilespmem:v28+s11+$0x0] =	vst.idx.add.f32.msk $0xffff, v3  }
0x195: {  	v23 =	vor.u32 v5, v23;
	[tilespmem:v16+s11+$0x0] =	vst.idx.add.f32.msk $0xffff, v3  }
0x196: {  	v28 =	vor.u32 v5, v8;
	v8 =	vmov v37;
	[tilespmem:v35+s11+$0x0] =	vst.idx.add.f32.msk $0xffff, v3  }
0x197: {  	v16 =	vand.u32 $0x7, v20;
	v20 =	vand.u32 $0x7, v9;
	[tilespmem:v24+s11+$0x0] =	vst.idx.add.f32.msk $0xffff, v3;
	v24 =	vor.u32 v5, v7;
	v7 =	vmovc v29  }
0x198: {  	v11 =	vand.u32 $0x7, v11;
	v35 =	vor.u32 v20, v10;
	v29 =	vor.u32 v16, v39;
	[tilespmem:v15+s11+$0x0] =	vst.idx.add.f32.msk $0xffff, v3  }
0x199: {  	v42 =	vand.u32 $0x7, v44;
	v37 =	vor.u32 v11, v17;
	v9 =	vmovc v33;
	v15 =	vshrl.u32 v18, $0x10;
	[tilespmem:v14+s11+$0x0] =	vst.idx.add.f32.msk $0xffff, v3  }
0x19a: {  	v20 =	vor.u32 v42, v34;
	v16 =	vand.u32 $0xFF, v32;
	v39 =	vor.u32 v5, v41;
	[tilespmem:v23+s11+$0x0] =	vst.idx.add.f32.msk $0xffff, v3  }
0x19b: {  	v11 =	vshrl.u32 v38, $0x10;
	v10 =	vmovc v27;
	v32 =	vand.u32 $0xFF, v38;
	v14 =	vshrl.u32 v38, $0x8;
	[tilespmem:v21+s11+$0x0] =	vst.idx.add.f32.msk $0xffff, v3  }
0x19c: {  	v11 =	vand.u32 $0xFF, v11;
	v27 =	vshrl.u32 v31, $0x8;
	v31 =	vand.u32 $0xFF, v31;
	[tilespmem:v13+s11+$0x0] =	vst.idx.add.f32.msk $0xffff, v3  }
0x19d: {  	v34 =	vshrl.u32 v40, $0x8;
	v38 =	vand.u32 $0xFF, v40;
	v23 =	vor.u32 v5, v11;
	[tilespmem:v28+s11+$0x0] =	vst.idx.add.f32.msk $0xffff, v3  }
0x19e: {  	v11 =	vshrl.u32 v36, $0x18;
	v14 =	vand.u32 $0xFF, v14;
	v13 =	vshrl.u32 v36, $0x8;
	[tilespmem:v25+s11+$0x0] =	vst.idx.add.f32.msk $0xffff, v3  }
0x19f: {  	v21 =	vshrl.u32 v18, $0x18;
	v17 =	vand.u32 $0xF8, v11;
	v28 =	vor.u32 v4, v14;
	[tilespmem:v24+s11+$0x0] =	vst.idx.add.f32.msk $0xffff, v3  }
0x1a0: {  	v32 =	vor.u32 v1, v32;
	v14 =	vand.u32 $0xFF, v13;
	v24 =	vshrl.u32 v19, $0x8;
	[tilespmem:v26+s11+$0x0] =	vst.idx.add.f32.msk $0xffff, v3  }
0x1a1: {  	v33 =	vand.u32 $0xFF, v19;
	v13 =	vand.u32 $0xFF, v27;
	v26 =	vand.u32 $0xFF, v22;
	[tilespmem:v37+s11+$0x0] =	vst.idx.add.f32.msk $0xffff, v3  }
0x1a2: {  	v31 =	vor.u32 v1, v31;
	v25 =	vshrl.u32 v22, $0x18;
	v24 =	vand.u32 $0xFF, v24;
	[tilespmem:v35+s11+$0x0] =	vst.idx.add.f32.msk $0xffff, v3  }
0x1a3: {  	v27 =	vand.u32 $0xF8, v25;
	v22 =	vshrl.u32 v22, $0x8;
	v35 =	vor.u32 v4, v13;
	[tilespmem:v30+s11+$0x0] =	vst.idx.add.f32.msk $0xffff, v3  }
0x1a4: {  	v36 =	vand.u32 $0xFF, v36;
	v13 =	vand.u32 $0xFF, v22;
	v22 =	vor.u32 v6, v27;
	[tilespmem:v29+s11+$0x0] =	vst.idx.add.f32.msk $0xffff, v3  }
.Ltmp4:
0x1a5: {  	v25 =	vand.u32 $0x7, v25;
	v13 =	vor.u32 v4, v13;
	v30 =	vshrl.u32 v19, $0x10;
	[tilespmem:v32+s11+$0x0] =	vst.idx.add.f32.msk $0xffff, v3;
	(pc) =	sbr.rel @p0 .LBB2_10-.Ltmp4, $4  }
0x1a6: {  	v27 =	vor.u32 v1, v33;
	v33 =	vshrl.u32 v18, $0x8;
	v29 =	vor.u32 v1, v38;
	[tilespmem:v28+s11+$0x0] =	vst.idx.add.f32.msk $0xffff, v3  }
0x1a7: {  	v34 =	vand.u32 $0xFF, v34;
	v19 =	vshrl.u32 v19, $0x18;
	v32 =	vand.u32 $0xF8, v21;
	[tilespmem:v31+s11+$0x0] =	vst.idx.add.f32.msk $0xffff, v3  }
0x1a8: {  	v28 =	vor.u32 v1, v26;
	v26 =	vand.u32 $0xF8, v19;
	v31 =	vor.u32 v1, v36;
	[tilespmem:v35+s11+$0x0] =	vst.idx.add.f32.msk $0xffff, v3  }
0x1a9: {  	s19 =	simm.s32 $0x4020;
	s18 =	sadd.s32 $0x80, s18;
	v24 =	vor.u32 v4, v24;
	v18 =	vand.u32 $0xFF, v18;
	v26 =	vor.u32 v6, v26;
	[tilespmem:v39+s11+$0x0] =	vst.idx.add.f32.msk $0xffff, v3  }
0x1aa: {  	_ =	sdelay $0x3  }
0x1ab: {  	[tilespmem:v20+s11+$0x0] =	vst.idx.add.f32.msk $0xffff, v3  }
0x1ac: {  	[tilespmem:v23+s11+$0x0] =	vst.idx.add.f32.msk $0xffff, v3  }
0x1ad: {  	[tilespmem:v31+s11+$0x0] =	vst.idx.add.f32.msk $0xffff, v3  }
0x1ae: {  	[tilespmem:v29+s11+$0x0] =	vst.idx.add.f32.msk $0xffff, v3  }
0x1af: {  	v34 =	vor.u32 v4, v34;
	[tilespmem:v27+s11+$0x0] =	vst.idx.add.f32.msk $0xffff, v3  }
0x1b0: {  	v18 =	vor.u32 v1, v18;
	[tilespmem:v28+s11+$0x0] =	vst.idx.add.f32.msk $0xffff, v3  }
0x1b1: {  	v14 =	vor.u32 v4, v14;
	[tilespmem:v12+s11+$0x0] =	vst.idx.add.f32.msk $0xffff, v3  }
0x1b2: {  	v8 =	vor.u32 v5, v8;
	[tilespmem:v24+s11+$0x0] =	vst.idx.add.f32.msk $0xffff, v3  }
0x1b3: {  	v16 =	vor.u32 v5, v16;
	[tilespmem:v13+s11+$0x0] =	vst.idx.add.f32.msk $0xffff, v3  }
0x1b4: {  	v7 =	vor.u32 v5, v7;
	v12 =	vand.u32 $0xFF, v33;
	[tilespmem:v34+s11+$0x0] =	vst.idx.add.f32.msk $0xffff, v3  }
0x1b5: {  	v15 =	vand.u32 $0xFF, v15;
	v12 =	vor.u32 v4, v12;
	[tilespmem:v18+s11+$0x0] =	vst.idx.add.f32.msk $0xffff, v3  }
0x1b6: {  	v9 =	vand.u32 $0x7, v9;
	v15 =	vor.u32 v5, v15;
	[tilespmem:v14+s11+$0x0] =	vst.idx.add.f32.msk $0xffff, v3  }
0x1b7: {  	v60 =	vand.u32 $0x7, v21;
	v61 =	vor.u32 v6, v32;
	v9 =	vor.u32 v9, v10;
	[tilespmem:v8+s11+$0x0] =	vst.idx.add.f32.msk $0xffff, v3  }
0x1b8: {  	v59 =	vand.u32 $0xFF, v30;
	v62 =	vor.u32 v60, v61;
	[tilespmem:v16+s11+$0x0] =	vst.idx.add.f32.msk $0xffff, v3  }
0x1b9: {  	v18 =	vor.u32 v5, v59;
	v14 =	vand.u32 $0x7, v19;
	[tilespmem:v7+s11+$0x0] =	vst.idx.add.f32.msk $0xffff, v3  }
0x1ba: {  	v14 =	vor.u32 v14, v26;
	[tilespmem:v12+s11+$0x0] =	vst.idx.add.f32.msk $0xffff, v3  }
0x1bb: {  	v11 =	vand.u32 $0x7, v11;
	v12 =	vor.u32 v25, v22;
	[tilespmem:v15+s11+$0x0] =	vst.idx.add.f32.msk $0xffff, v3;
	v15 =	vor.u32 v6, v17  }
0x1bc: {  	[tilespmem:v9+s11+$0x0] =	vst.idx.add.f32.msk $0xffff, v3;
	v11 =	vor.u32 v11, v15  }
0x1bd: {  	[tilespmem:v62+s11+$0x0] =	vst.idx.add.f32.msk $0xffff, v3  }
0x1be: {  	[tilespmem:v18+s11+$0x0] =	vst.idx.add.f32.msk $0xffff, v3  }
0x1bf: {  	[tilespmem:v14+s11+$0x0] =	vst.idx.add.f32.msk $0xffff, v3  }
0x1c0: {  	s17 =	simm.s32 $0x20;
	[tilespmem:v12+s11+$0x0] =	vst.idx.add.f32.msk $0xffff, v3  }
0x1c1: {  	s18 =	simm.s32 $0x10;
	s17 =	sand.u32 $0xE0, s17;
	[tilespmem:v11+s11+$0x0] =	vst.idx.add.f32.msk $0xffff, v3  }
0x1c2: {  	s26 =	sand.u32 $0xD0, s18;
	v9 =	vor.u32 s17, v0;
	v8 =	vld [tilespmem:s19+$0x0]  }
0x1c3: {  	s28 =	simm.s32 $0x0;
	v11 =	vor.u32 s26, v0;
	v10 =	vld [tilespmem:s19+$0xFFFFFFF0]  }
0x1c4: {  	s17 =	sand.u32 $0xC0, s28;
	v7 =	vld [tilespmem:s19+$0x10]  }
0x1c5: {  	v14 =	vor.u32 s17, v0;
	s17 =	simm.s32 $0x4060;
	v13 =	vld [tilespmem:s19+$0xFFFFFFE0]  }
0x1c6: {  	v15 =	vld [tilespmem:s17+$0x0]  }
0x1c7: {  	s29 =	simm.s32 $0x60;
	[tilespmem:v9+s13+$0x0] =	vst.idx.add.f32.msk $0xffff, v8  }
0x1c8: {  	s18 =	sand.u32 $0xE0, s29;
	[tilespmem:v11+s13+$0x0] =	vst.idx.add.f32.msk $0xffff, v10  }
0x1c9: {  	s16 =	sand.u32 $0xF0, s16;
	s20 =	simm.s32 $0x50;
	v63 =	vor.u32 s18, v0;
	v9 =	vld [tilespmem:s17+$0xFFFFFFF0]  }
0x1ca: {  	s20 =	sand.u32 $0xD0, s20;
	v11 =	vld [tilespmem:s17+$0x10];
	v8 =	vor.u32 s16, v0  }
0x1cb: {  	[tilespmem:v14+s13+$0x0] =	vst.idx.add.f32.msk $0xffff, v13;
	v14 =	vor.u32 s20, v0  }
0x1cc: {  	s30 =	simm.s32 $0x70;
	s31 =	simm.s32 $0x40;
	v12 =	vld [tilespmem:s17+$0xFFFFFFE0]  }
0x1cd: {  	s18 =	sand.u32 $0xF0, s30;
	s19 =	sand.u32 $0xC0, s31  }
0x1ce: {  	s16 =	simm.s32 $0x4;
	v10 =	vor.u32 s19, v0;
	v13 =	vor.u32 s18, v0;
	[tilespmem:v63+s13+$0x0] =	vst.idx.add.f32.msk $0xffff, v15;
	s18 =	simm.s32 $0xB0  }
.LBB2_12:
0x1cf: {  	s19 =	sadd.s32 $0xFFFFFFD0, s18;
	s20 =	sadd.s32 $0xFFFFFFF0, s18;
	s16 =	sadd.s32 $0x4, s16;
	[tilespmem:v8+s13+$0x0] =	vst.idx.add.f32.msk $0xffff, v7;
	v8 =	vmov v13  }
0x1d0: {  	s17 =	sadd.s32 $0x40, s17;
	s20 =	sand.u32 $0xE0, s20;
	p0 =	slt.u32 s16, $0x3FC;
	[tilespmem:v14+s13+$0x0] =	vst.idx.add.f32.msk $0xffff, v9;
	v7 =	vmov v11  }
0x1d1: {  	s21 =	sadd.s32 $0xFFFFFFE0, s18;
	s19 =	sand.u32 $0xC0, s19;
	v15 =	vld [tilespmem:s17+$0x0];
	v16 =	vor.u32 s20, v0;
	s20 =	sand.u32 $0xF0, s18;
	v17 =	vmov v12  }
.Ltmp5:
0x1d2: {  	v18 =	vor.u32 s19, v0;
	s19 =	sand.u32 $0xD0, s21;
	v9 =	vld [tilespmem:s17+$0xFFFFFFF0];
	v13 =	vor.u32 s20, v0;
	(pc) =	sbr.rel @p0 .LBB2_12-.Ltmp5, $4  }
0x1d3: {  	v14 =	vor.u32 s19, v0;
	v11 =	vld [tilespmem:s17+$0x10]  }
0x1d4: {  	v12 =	vld [tilespmem:s17+$0xFFFFFFE0]  }
0x1d5: {  	[tilespmem:v10+s13+$0x0] =	vst.idx.add.f32.msk $0xffff, v17;
	v10 =	vmov v18  }
0x1d6: {  	s18 =	sadd.s32 $0x40, s18;
	[tilespmem:v16+s13+$0x0] =	vst.idx.add.f32.msk $0xffff, v15  }
0x1d7: {  	_ =	sdelay $0x3  }
0x1d8: {  	[tilespmem:v8+s13+$0x0] =	vst.idx.add.f32.msk $0xffff, v7  }
0x1d9: {  	[tilespmem:v14+s13+$0x0] =	vst.idx.add.f32.msk $0xffff, v9;
	s15 =	sadd.s32 $0x1, s15  }
0x1da: {  	[tilespmem:v13+s13+$0x0] =	vst.idx.add.f32.msk $0xffff, v11;
	p0 =	sne.s32 s15, s8  }
.Ltmp6:
0x1db: {  	[tilespmem:v10+s13+$0x0] =	vst.idx.add.f32.msk $0xffff, v12;
	(pc) =	sbr.rel @p0 .LBB2_1-.Ltmp6, $4  }
0x1dc: {  	[hbm4b:s7+s2] =	stream.linear.scatter [tilespmem:s13], [sflag:$0x3], $0x100, $0x38;
	[tilespmem:$0x8100] =	vst v63  }
0x1dd: {  	_ =	swait.ge [sflag:s14], $0x100  }
0x1de: {  	[sflag:s14] =	ssyncset.done $0x0  }
0x1df: {  	[sflag:s14] =	ssyncadd.s32 $0xFFFFFF00  }
0x1e0: {  	_ =	sfence.sel $0x180000  }
0x1e1: {  	[bflag:$0x0] =	sbarrier.arrive $0xFFFF  }
0x1e2: {  	p0 =	sne.s32 s1, $0x0;
	_ =	strace $0x90000047  }
0x1e3: {  	s0 =	sadd.s32 @!p0 $0x100000, s0;
	[bflag:$0x2] =	sbarrier.arrive $0xFFFF  }
0x1e4: {  	[sflag:s0] =	ssyncadd.tile.s32 @!p0 $0x1;
	_ =	shalt  }
.Lfunc_end2:
_tile_overlayer_lowered:
.L_overlay_start_2:
0x1e5: {  	(tag) =	ssettag $0x2  }
0x1e6: {  	s0 =	rddreg [dreg:$0x0];
	s2 =	stileid.u32  }
0x1e7: {  	s1 =	rddreg [dreg:$0x1];
	p0 =	sne.s32 s2, $0x0  }
0x1e8: {  	s3 =	rddreg [dreg:$0x2];
	[bflag:$0x3] =	sbarrier.arrive $0xFFFF;
	s2 =	simm.s32 @!p0 $0x1C03  }
0x1e9: {  	[timem:s3], [sflag:s2] =	dma.local @!p0 [hbm:s0], s1  }
0x1ea: {  	s0 =	simm.s32 @!p0 $0x3  }
0x1eb: {  	_ =	swait.ge @!p0 [sflag:s0], s1  }
0x1ec: {  	s1 =	ssub.s32 @!p0 $0x0, s1;
	[sflag:s0] =	ssyncset.done @!p0 $0x0  }
0x1ed: {  	[sflag:s0] =	ssyncadd.s32 @!p0 s1  }
0x1ee: {  	[bflag:$0x3] =	sbarrier.arrive $0xFFFF  }
0x1ef: {  	_ =	shalt  }

</sc_bundles>
